<compile_context>
chip_gen: v7x
topology: tpu7x:2x2x1
jax: 0.10.2.dev20260603
libtpu: 0.0.44.dev20260713+nightly
codegen_flags: <defaults>
</compile_context>

<pallas_src>
import functools

import jax
import jax.numpy as jnp
from jax import lax
from jax.experimental import pallas as pl
from jax.experimental.pallas import tpu as pltpu
from jax.experimental.pallas import tpu_sc as plsc

_NC, _NS = 2, 16
_NW = _NC * _NS
_DD = 2
_D_SC = 12
_RB = 24


def _sc_counts(x3, t3, B, C, D, H, W, d0):
    d_sc = D - d0
    tasks_pb = d_sc * (H // _RB)
    wpb = _NW // B
    T = tasks_pb // wpb
    mesh = plsc.VectorSubcoreMesh(core_axis_name="c", subcore_axis_name="s")

    @functools.partial(
        pl.kernel, mesh=mesh,
        out_type=jax.ShapeDtypeStruct((_NW * 3 * 16,), jnp.float32),
        scratch_types=[
            pltpu.VMEM((C, _RB, W), jnp.float32),
            pltpu.VMEM((_RB, W), jnp.int32),
        ] + [pltpu.VMEM((16,), jnp.float32) for _ in range(3)],
        compiler_params=pltpu.CompilerParams(needs_layout_passes=False),
    )
    def k(x_hbm, t_hbm, out_hbm, xbuf, tbuf, acc_tp, acc_cp, acc_ct):
        wid = lax.axis_index("s") * _NC + lax.axis_index("c")
        b = wid // wpb
        local = wid % wpb
        zero16 = jnp.zeros((16,), jnp.float32)
        ones = jnp.ones((16,), jnp.float32)
        acc_tp[...] = zero16
        acc_cp[...] = zero16
        acc_ct[...] = zero16

        def task_body(t, carry):
            pt = local * T + t
            ds = pt // (H // _RB)
            rb = pt % (H // _RB)
            d = d0 + ds
            r0 = rb * _RB
            for c in range(C):
                pltpu.sync_copy(
                    x_hbm.at[(b * C + c) * D + d, pl.ds(r0, _RB)],
                    xbuf.at[c])
            pltpu.sync_copy(t_hbm.at[b * D + d, pl.ds(r0, _RB)], tbuf)

            def row_body(r, carry2):
                def vec_body(j, carry3):
                    s = pl.ds(j * 16, 16)
                    best = xbuf[0, r, s]
                    pred = jnp.zeros((16,), jnp.int32)
                    for c in range(1, C):
                        xc = xbuf[c, r, s]
                        m = xc > best
                        best = jnp.where(m, xc, best)
                        pred = jnp.where(m, c, pred)
                    tg = tbuf[r, s]
                    eq = pred == tg
                    plsc.addupdate_scatter(acc_tp, [tg], ones, mask=eq)
                    plsc.addupdate_scatter(acc_cp, [pred], ones)
                    plsc.addupdate_scatter(acc_ct, [tg], ones)
                    return carry3

                return lax.fori_loop(0, W // 16, vec_body, carry2)

            return lax.fori_loop(0, _RB, row_body, carry)

        lax.fori_loop(0, T, task_body, 0)
        for r, a in enumerate((acc_tp, acc_cp, acc_ct)):
            pltpu.sync_copy(a, out_hbm.at[pl.ds((wid * 3 + r) * 16, 16)])

    return k(x3, t3)


def _tc_body(x_ref, t_ref, o_ref):
    C = x_ref.shape[1]
    W = x_ref.shape[4]
    x = x_ref[0]
    tgt = t_ref[0]
    best = x[0]
    pred = jnp.zeros_like(tgt)
    for c in range(1, C):
        m = x[c] > best
        best = jnp.where(m, x[c], best)
        pred = jnp.where(m, c, pred)
    one = jnp.ones_like(best)
    zero = jnp.zeros_like(best)
    rows = []
    for c in range(C):
        pc = pred == c
        tc = tgt == c
        for msk in (pc & tc, pc, tc):
            r = jnp.sum(jnp.where(msk, one, zero), axis=(0, 1), keepdims=True)
            rows.append(r.reshape(1, W))
    cnt = jnp.concatenate(rows, axis=0)
    i = pl.program_id(1)

    @pl.when(i == 0)
    def _init():
        o_ref[0] = cnt

    @pl.when(i > 0)
    def _acc():
        o_ref[0] = o_ref[0] + cnt


def kernel(inputs, targets):
    eps = 1e-05
    B, C, D, H, W = inputs.shape
    t = targets.astype(jnp.int32)
    d0 = D - _D_SC

    x3 = inputs.reshape(B * C * D, H, W)
    t3 = t.reshape(B * D, H, W)
    sc_parts = _sc_counts(x3, t3, B, C, D, H, W, d0)

    G = d0 // _DD
    counts = pl.pallas_call(
        _tc_body,
        grid=(B, G),
        in_specs=[
            pl.BlockSpec((1, C, _DD, H, W), lambda b, i: (b, 0, i, 0, 0)),
            pl.BlockSpec((1, _DD, H, W), lambda b, i: (b, i, 0, 0)),
        ],
        out_specs=pl.BlockSpec((1, 3 * C, W), lambda b, i: (b, 0, 0)),
        out_shape=jax.ShapeDtypeStruct((B, 3 * C, W), jnp.float32),
        compiler_params=pltpu.CompilerParams(
            dimension_semantics=("parallel", "arbitrary")),
    )(inputs, t)
    tc_cnt = counts.sum(axis=2).reshape(B, C, 3)

    wpb = _NW // B
    sc_cnt = (sc_parts.reshape(B, wpb, 3, 16).sum(axis=1))[:, :, :C]

    tp = tc_cnt[..., 0] + sc_cnt[:, 0]
    cp = tc_cnt[..., 1] + sc_cnt[:, 1]
    ct = tc_cnt[..., 2] + sc_cnt[:, 2]
    loss = 2.0 * tp / (cp + ct + eps)
    return loss[:, 1:].mean(axis=1)

# --- scband reference (transcript-rebuilt; emitter-appended) ---
"""Pipeline reference for scband-dice-metric-4793183502894 (READ-ONLY COPY).

The authoritative reference and input builder live on the scoring server;
editing this copy changes nothing except your own understanding.
"""

import jax, jax.numpy as jnp
import numpy as np


def one_hot(gt, categories):
    # torch version scatters into a zero tensor then permutes (0,4,1,2,3);
    # jax.nn.one_hot + moveaxis reproduces the same [B, C, D, H, W] layout.
    oh = jax.nn.one_hot(gt, categories, dtype=jnp.float32)
    return jnp.moveaxis(oh, -1, 1)


def setup_inputs(seed: int = 0):
    key = jax.random.key(seed)
    k1, k2 = jax.random.split(key)
    inputs = jax.random.normal(k1, (2, 8, 64, 192, 192), dtype=jnp.float32)
    targets = jax.random.randint(k2, (2, 64, 192, 192), 0, 8).astype(jnp.int64)
    return {"inputs": inputs, "targets": targets}


def reference(inputs, targets):
    eps = 1e-05
    categories = inputs.shape[1]
    t = one_hot(targets, categories)
    preds = jnp.argmax(jax.nn.softmax(inputs, axis=1), axis=1)
    i = one_hot(preds, categories)
    dims = tuple(range(2, t.ndim))
    tps = jnp.sum(i * t, axis=dims)
    fps = jnp.sum(i * (1.0 - t), axis=dims)
    fns = jnp.sum((1.0 - i) * t, axis=dims)
    loss = 2.0 * tps / (2.0 * tps + fps + fns + eps)
    return loss[:, 1:].mean(axis=1)

if __name__ == "__main__":
    import jax
    _d = setup_inputs()
    print(jax.jit(kernel)(*tuple(_d.values())))

</pallas_src>

<mosaic_0001>
#map = affine_map<(d0, d1) -> (0, 0, 0)>
#map1 = affine_map<(d0, d1) -> (0)>
module attributes {stable_mosaic.version = 14 : i64} {
  func.func @k(%arg0: i32, %arg1: i32, %arg2: memref<1024x192x192xf32, #tpu.memory_space<hbm>>, %arg3: memref<128x192x192xi32, #tpu.memory_space<hbm>>, %arg4: memref<1536xf32, #tpu.memory_space<hbm>>, %arg5: memref<8x24x192xf32, #tpu.memory_space<vmem>>, %arg6: memref<24x192xi32, #tpu.memory_space<vmem>>, %arg7: memref<16xf32, #tpu.memory_space<vmem>>, %arg8: memref<16xf32, #tpu.memory_space<vmem>>, %arg9: memref<16xf32, #tpu.memory_space<vmem>>) attributes {dimension_semantics = [#tpu.dimension_semantics<core_parallel>, #tpu.dimension_semantics<subcore_parallel>], iteration_bounds = array<i64: 2, 16>, scalar_prefetch = 0 : i64, scratch_operands = 5 : i64, tpu.core_type = #tpu.core_type<sc_vector_subcore>, window_params = [{transform_indices = #map}, {transform_indices = #map}, {transform_indices = #map1}]} {
    %mul3A = arith.constant 2 : i32
    %mul3A_0 = arith.muli %arg1, %mul3A : i32
    %add3A = arith.addi %mul3A_0, %arg0 : i32
    %jit3A = arith.constant 16 : i32
    %div3A = arith.divsi %add3A, %jit3A : i32
    %sign3A = arith.constant 0 : i32
    %sign3A_1 = arith.cmpi sgt, %add3A, %sign3A : i32
    %sign3A_2 = arith.extui %sign3A_1 : i1 to i32
    %sign3A_3 = arith.constant 0 : i32
    %sign3A_4 = arith.cmpi slt, %add3A, %sign3A_3 : i32
    %sign3A_5 = arith.extui %sign3A_4 : i1 to i32
    %sign3A_6 = arith.subi %sign3A_2, %sign3A_5 : i32
    %sign3A_7 = arith.constant 0 : i32
    %sign3A_8 = arith.cmpi sgt, %jit3A, %sign3A_7 : i32
    %sign3A_9 = arith.extui %sign3A_8 : i1 to i32
    %sign3A_10 = arith.constant 0 : i32
    %sign3A_11 = arith.cmpi slt, %jit3A, %sign3A_10 : i32
    %sign3A_12 = arith.extui %sign3A_11 : i1 to i32
    %sign3A_13 = arith.subi %sign3A_9, %sign3A_12 : i32
    %ne3A = arith.cmpi ne, %sign3A_6, %sign3A_13 : i32
    %rem3A = arith.remsi %add3A, %jit3A : i32
    %ne3A_14 = arith.constant 0 : i32
    %ne3A_15 = arith.cmpi ne, %rem3A, %ne3A_14 : i32
    %and3A = arith.andi %ne3A, %ne3A_15 : i1
    %sub3A = arith.constant 1 : i32
    %sub3A_16 = arith.subi %div3A, %sub3A : i32
    %select_n3A = arith.select %and3A, %sub3A_16, %div3A : i32
    %jit3A_17 = arith.constant 16 : i32
    %eq3A = arith.constant 0 : i32
    %eq3A_18 = arith.cmpi eq, %jit3A_17, %eq3A : i32
    %jit3A_19 = arith.constant 1 : i32
    %select_n3A_20 = arith.select %eq3A_18, %jit3A_19, %jit3A_17 : i32
    %rem3A_21 = arith.remsi %add3A, %select_n3A_20 : i32
    %ne3A_22 = arith.constant 0 : i32
    %ne3A_23 = arith.cmpi ne, %rem3A_21, %ne3A_22 : i32
    %lt3A = arith.constant 0 : i32
    %lt3A_24 = arith.cmpi slt, %rem3A_21, %lt3A : i32
    %lt3A_25 = arith.constant 0 : i32
    %lt3A_26 = arith.cmpi slt, %select_n3A_20, %lt3A_25 : i32
    %ne3A_27 = arith.xori %lt3A_24, %lt3A_26 : i1
    %and3A_28 = arith.andi %ne3A_27, %ne3A_23 : i1
    %add3A_29 = arith.addi %rem3A_21, %select_n3A_20 : i32
    %select_n3A_30 = arith.select %and3A_28, %add3A_29, %rem3A_21 : i32
    %broadcast_in_dim3A = arith.constant 0.000000e+00 : f32
    %broadcast_in_dim3A_31 = vector.broadcast %broadcast_in_dim3A : f32 to vector<16xf32>
    %broadcast_in_dim3A_32 = arith.constant 1.000000e+00 : f32
    %broadcast_in_dim3A_33 = vector.broadcast %broadcast_in_dim3A_32 : f32 to vector<16xf32>
    %swap3A = arith.constant 0 : index
    %swap3A_34 = tpu.vector_load %arg7[%swap3A] {strides = array<i32>} : memref<16xf32, #tpu.memory_space<vmem>>, vector<16xf32>,
    tpu.vector_store %arg7[%swap3A], %broadcast_in_dim3A_31 {strides = array<i32>} : memref<16xf32, #tpu.memory_space<vmem>>, vector<16xf32>,
    %swap3A_35 = arith.constant 0 : index
    %swap3A_36 = tpu.vector_load %arg8[%swap3A_35] {strides = array<i32>} : memref<16xf32, #tpu.memory_space<vmem>>, vector<16xf32>,
    tpu.vector_store %arg8[%swap3A_35], %broadcast_in_dim3A_31 {strides = array<i32>} : memref<16xf32, #tpu.memory_space<vmem>>, vector<16xf32>,
    %swap3A_37 = arith.constant 0 : index
    %swap3A_38 = tpu.vector_load %arg9[%swap3A_37] {strides = array<i32>} : memref<16xf32, #tpu.memory_space<vmem>>, vector<16xf32>,
    tpu.vector_store %arg9[%swap3A_37], %broadcast_in_dim3A_31 {strides = array<i32>} : memref<16xf32, #tpu.memory_space<vmem>>, vector<16xf32>,
    %scan3A = arith.constant 0 : i32
    %scan3A_39 = arith.constant 0 : i32
    %scan3A_40 = arith.constant 6 : i32
    %scan3A_41 = arith.addi %scan3A_39, %scan3A_40 : i32
    %scan3A_42 = arith.constant 1 : i32
    scf.for %scan3A_62 = %scan3A_39 to %scan3A_41 step %scan3A_42  : i32 {
      %mul3A_63 = arith.constant 6 : i32
      %mul3A_64 = arith.muli %select_n3A_30, %mul3A_63 : i32
      %add3A_65 = arith.addi %mul3A_64, %scan3A_62 : i32
      %jit3A_66 = arith.constant 8 : i32
      %div3A_67 = arith.divsi %add3A_65, %jit3A_66 : i32
      %sign3A_68 = arith.constant 0 : i32
      %sign3A_69 = arith.cmpi sgt, %add3A_65, %sign3A_68 : i32
      %sign3A_70 = arith.extui %sign3A_69 : i1 to i32
      %sign3A_71 = arith.constant 0 : i32
      %sign3A_72 = arith.cmpi slt, %add3A_65, %sign3A_71 : i32
      %sign3A_73 = arith.extui %sign3A_72 : i1 to i32
      %sign3A_74 = arith.subi %sign3A_70, %sign3A_73 : i32
      %sign3A_75 = arith.constant 0 : i32
      %sign3A_76 = arith.cmpi sgt, %jit3A_66, %sign3A_75 : i32
      %sign3A_77 = arith.extui %sign3A_76 : i1 to i32
      %sign3A_78 = arith.constant 0 : i32
      %sign3A_79 = arith.cmpi slt, %jit3A_66, %sign3A_78 : i32
      %sign3A_80 = arith.extui %sign3A_79 : i1 to i32
      %sign3A_81 = arith.subi %sign3A_77, %sign3A_80 : i32
      %ne3A_82 = arith.cmpi ne, %sign3A_74, %sign3A_81 : i32
      %rem3A_83 = arith.remsi %add3A_65, %jit3A_66 : i32
      %ne3A_84 = arith.constant 0 : i32
      %ne3A_85 = arith.cmpi ne, %rem3A_83, %ne3A_84 : i32
      %and3A_86 = arith.andi %ne3A_82, %ne3A_85 : i1
      %sub3A_87 = arith.constant 1 : i32
      %sub3A_88 = arith.subi %div3A_67, %sub3A_87 : i32
      %select_n3A_89 = arith.select %and3A_86, %sub3A_88, %div3A_67 : i32
      %jit3A_90 = arith.constant 8 : i32
      %eq3A_91 = arith.constant 0 : i32
      %eq3A_92 = arith.cmpi eq, %jit3A_90, %eq3A_91 : i32
      %jit3A_93 = arith.constant 1 : i32
      %select_n3A_94 = arith.select %eq3A_92, %jit3A_93, %jit3A_90 : i32
      %rem3A_95 = arith.remsi %add3A_65, %select_n3A_94 : i32
      %ne3A_96 = arith.constant 0 : i32
      %ne3A_97 = arith.cmpi ne, %rem3A_95, %ne3A_96 : i32
      %lt3A_98 = arith.constant 0 : i32
      %lt3A_99 = arith.cmpi slt, %rem3A_95, %lt3A_98 : i32
      %lt3A_100 = arith.constant 0 : i32
      %lt3A_101 = arith.cmpi slt, %select_n3A_94, %lt3A_100 : i32
      %ne3A_102 = arith.xori %lt3A_99, %lt3A_101 : i1
      %and3A_103 = arith.andi %ne3A_102, %ne3A_97 : i1
      %add3A_104 = arith.addi %rem3A_95, %select_n3A_94 : i32
      %select_n3A_105 = arith.select %and3A_103, %add3A_104, %rem3A_95 : i32
      %add3A_106 = arith.constant 52 : i32
      %add3A_107 = arith.addi %add3A_106, %select_n3A_89 : i32
      %mul3A_108 = arith.constant 24 : i32
      %mul3A_109 = arith.muli %select_n3A_105, %mul3A_108 : i32
      %mul3A_110 = arith.constant 8 : i32
      %mul3A_111 = arith.muli %select_n3A, %mul3A_110 : i32
      %add3A_112 = arith.constant 0 : i32
      %add3A_113 = arith.addi %mul3A_111, %add3A_112 : i32
      %mul3A_114 = arith.constant 64 : i32
      %mul3A_115 = arith.muli %add3A_113, %mul3A_114 : i32
      %add3A_116 = arith.addi %mul3A_115, %add3A_107 : i32
      %run_scoped3A = arith.constant 0 : i32
      "tpu.region"() ({
        %run_scoped3A_181 = tpu.sem_alloc : memref<!tpu.dma_semaphore, #tpu.memory_space<semaphore_mem>>
        %dma_start3A = arith.constant 0 : i32
        %dma_start3A_182 = arith.constant 0 : i32
        %dma_start3A_183 = tpu.memref_slice %arg5[%run_scoped3A, %dma_start3A, %dma_start3A_182] : memref<8x24x192xf32, #tpu.memory_space<vmem>> -> memref<1x24x192xf32, #tpu.memory_space<vmem>>
        %dma_start3A_184 = tpu.memref_squeeze %dma_start3A_183 : memref<1x24x192xf32, #tpu.memory_space<vmem>> -> memref<24x192xf32, #tpu.memory_space<vmem>>
        %dma_start3A_185 = arith.constant 0 : i32
        %dma_start3A_186 = tpu.memref_slice %arg2[%add3A_116, %mul3A_109, %dma_start3A_185] : memref<1024x192x192xf32, #tpu.memory_space<hbm>> -> memref<1x24x192xf32, #tpu.memory_space<hbm>>
        %dma_start3A_187 = tpu.memref_squeeze %dma_start3A_186 : memref<1x24x192xf32, #tpu.memory_space<hbm>> -> memref<24x192xf32, #tpu.memory_space<hbm>>
        %dma_start3A_188 = arith.constant 0 : i32
        %dma_start3A_189 = arith.constant 0 : i32
        %dma_start3A_190 = tpu.memref_slice %arg5[%run_scoped3A, %dma_start3A_188, %dma_start3A_189] : memref<8x24x192xf32, #tpu.memory_space<vmem>> -> memref<1x24x192xf32, #tpu.memory_space<vmem>>
        %dma_start3A_191 = tpu.memref_squeeze %dma_start3A_190 : memref<1x24x192xf32, #tpu.memory_space<vmem>> -> memref<24x192xf32, #tpu.memory_space<vmem>>
        %dma_start3A_192 = arith.constant 0 : i32
        %dma_start3A_193 = tpu.memref_slice %arg2[%add3A_116, %mul3A_109, %dma_start3A_192] : memref<1024x192x192xf32, #tpu.memory_space<hbm>> -> memref<1x24x192xf32, #tpu.memory_space<hbm>>
        %dma_start3A_194 = tpu.memref_squeeze %dma_start3A_193 : memref<1x24x192xf32, #tpu.memory_space<hbm>> -> memref<24x192xf32, #tpu.memory_space<hbm>>
        tpu.enqueue_dma source(%dma_start3A_194 : memref<24x192xf32, #tpu.memory_space<hbm>>) target(%dma_start3A_191 : memref<24x192xf32, #tpu.memory_space<vmem>>) target_semaphore(%run_scoped3A_181 : memref<!tpu.dma_semaphore, #tpu.memory_space<semaphore_mem>>)
        %dma_wait3A = arith.constant 0 : i32
        %dma_wait3A_195 = arith.constant 0 : i32
        %dma_wait3A_196 = tpu.memref_slice %arg5[%run_scoped3A, %dma_wait3A, %dma_wait3A_195] : memref<8x24x192xf32, #tpu.memory_space<vmem>> -> memref<1x24x192xf32, #tpu.memory_space<vmem>>
        %dma_wait3A_197 = tpu.memref_squeeze %dma_wait3A_196 : memref<1x24x192xf32, #tpu.memory_space<vmem>> -> memref<24x192xf32, #tpu.memory_space<vmem>>
        %dma_wait3A_198 = arith.constant 0 : i32
        %dma_wait3A_199 = tpu.memref_slice %arg2[%add3A_116, %mul3A_109, %dma_wait3A_198] : memref<1024x192x192xf32, #tpu.memory_space<hbm>> -> memref<1x24x192xf32, #tpu.memory_space<hbm>>
        %dma_wait3A_200 = tpu.memref_squeeze %dma_wait3A_199 : memref<1x24x192xf32, #tpu.memory_space<hbm>> -> memref<24x192xf32, #tpu.memory_space<hbm>>
        %dma_wait3A_201 = arith.constant 0 : i32
        %dma_wait3A_202 = arith.constant 0 : i32
        %dma_wait3A_203 = tpu.memref_slice %arg5[%run_scoped3A, %dma_wait3A_201, %dma_wait3A_202] : memref<8x24x192xf32, #tpu.memory_space<vmem>> -> memref<1x24x192xf32, #tpu.memory_space<vmem>>
        %dma_wait3A_204 = tpu.memref_squeeze %dma_wait3A_203 : memref<1x24x192xf32, #tpu.memory_space<vmem>> -> memref<24x192xf32, #tpu.memory_space<vmem>>
        %dma_wait3A_205 = arith.constant 0 : i32
        %dma_wait3A_206 = tpu.memref_slice %arg2[%add3A_116, %mul3A_109, %dma_wait3A_205] : memref<1024x192x192xf32, #tpu.memory_space<hbm>> -> memref<1x24x192xf32, #tpu.memory_space<hbm>>
        %dma_wait3A_207 = tpu.memref_squeeze %dma_wait3A_206 : memref<1x24x192xf32, #tpu.memory_space<hbm>> -> memref<24x192xf32, #tpu.memory_space<hbm>>
        tpu.wait_dma2 semaphore(%run_scoped3A_181 : memref<!tpu.dma_semaphore, #tpu.memory_space<semaphore_mem>>) src(%dma_wait3A_207 : memref<24x192xf32, #tpu.memory_space<hbm>>) dst(%dma_wait3A_204 : memref<24x192xf32, #tpu.memory_space<vmem>>)
        tpu.yield
      }) : () -> ()
      %mul3A_117 = arith.constant 8 : i32
      %mul3A_118 = arith.muli %select_n3A, %mul3A_117 : i32
      %add3A_119 = arith.constant 1 : i32
      %add3A_120 = arith.addi %mul3A_118, %add3A_119 : i32
      %mul3A_121 = arith.constant 64 : i32
      %mul3A_122 = arith.muli %add3A_120, %mul3A_121 : i32
      %add3A_123 = arith.addi %mul3A_122, %add3A_107 : i32
      %run_scoped3A_124 = arith.constant 1 : i32
      "tpu.region"() ({
        %run_scoped3A_181 = tpu.sem_alloc : memref<!tpu.dma_semaphore, #tpu.memory_space<semaphore_mem>>
        %dma_start3A = arith.constant 0 : i32
        %dma_start3A_182 = arith.constant 0 : i32
        %dma_start3A_183 = tpu.memref_slice %arg5[%run_scoped3A_124, %dma_start3A, %dma_start3A_182] : memref<8x24x192xf32, #tpu.memory_space<vmem>> -> memref<1x24x192xf32, #tpu.memory_space<vmem>>
        %dma_start3A_184 = tpu.memref_squeeze %dma_start3A_183 : memref<1x24x192xf32, #tpu.memory_space<vmem>> -> memref<24x192xf32, #tpu.memory_space<vmem>>
        %dma_start3A_185 = arith.constant 0 : i32
        %dma_start3A_186 = tpu.memref_slice %arg2[%add3A_123, %mul3A_109, %dma_start3A_185] : memref<1024x192x192xf32, #tpu.memory_space<hbm>> -> memref<1x24x192xf32, #tpu.memory_space<hbm>>
        %dma_start3A_187 = tpu.memref_squeeze %dma_start3A_186 : memref<1x24x192xf32, #tpu.memory_space<hbm>> -> memref<24x192xf32, #tpu.memory_space<hbm>>
        %dma_start3A_188 = arith.constant 0 : i32
        %dma_start3A_189 = arith.constant 0 : i32
        %dma_start3A_190 = tpu.memref_slice %arg5[%run_scoped3A_124, %dma_start3A_188, %dma_start3A_189] : memref<8x24x192xf32, #tpu.memory_space<vmem>> -> memref<1x24x192xf32, #tpu.memory_space<vmem>>
        %dma_start3A_191 = tpu.memref_squeeze %dma_start3A_190 : memref<1x24x192xf32, #tpu.memory_space<vmem>> -> memref<24x192xf32, #tpu.memory_space<vmem>>
        %dma_start3A_192 = arith.constant 0 : i32
        %dma_start3A_193 = tpu.memref_slice %arg2[%add3A_123, %mul3A_109, %dma_start3A_192] : memref<1024x192x192xf32, #tpu.memory_space<hbm>> -> memref<1x24x192xf32, #tpu.memory_space<hbm>>
        %dma_start3A_194 = tpu.memref_squeeze %dma_start3A_193 : memref<1x24x192xf32, #tpu.memory_space<hbm>> -> memref<24x192xf32, #tpu.memory_space<hbm>>
        tpu.enqueue_dma source(%dma_start3A_194 : memref<24x192xf32, #tpu.memory_space<hbm>>) target(%dma_start3A_191 : memref<24x192xf32, #tpu.memory_space<vmem>>) target_semaphore(%run_scoped3A_181 : memref<!tpu.dma_semaphore, #tpu.memory_space<semaphore_mem>>)
        %dma_wait3A = arith.constant 0 : i32
        %dma_wait3A_195 = arith.constant 0 : i32
        %dma_wait3A_196 = tpu.memref_slice %arg5[%run_scoped3A_124, %dma_wait3A, %dma_wait3A_195] : memref<8x24x192xf32, #tpu.memory_space<vmem>> -> memref<1x24x192xf32, #tpu.memory_space<vmem>>
        %dma_wait3A_197 = tpu.memref_squeeze %dma_wait3A_196 : memref<1x24x192xf32, #tpu.memory_space<vmem>> -> memref<24x192xf32, #tpu.memory_space<vmem>>
        %dma_wait3A_198 = arith.constant 0 : i32
        %dma_wait3A_199 = tpu.memref_slice %arg2[%add3A_123, %mul3A_109, %dma_wait3A_198] : memref<1024x192x192xf32, #tpu.memory_space<hbm>> -> memref<1x24x192xf32, #tpu.memory_space<hbm>>
        %dma_wait3A_200 = tpu.memref_squeeze %dma_wait3A_199 : memref<1x24x192xf32, #tpu.memory_space<hbm>> -> memref<24x192xf32, #tpu.memory_space<hbm>>
        %dma_wait3A_201 = arith.constant 0 : i32
        %dma_wait3A_202 = arith.constant 0 : i32
        %dma_wait3A_203 = tpu.memref_slice %arg5[%run_scoped3A_124, %dma_wait3A_201, %dma_wait3A_202] : memref<8x24x192xf32, #tpu.memory_space<vmem>> -> memref<1x24x192xf32, #tpu.memory_space<vmem>>
        %dma_wait3A_204 = tpu.memref_squeeze %dma_wait3A_203 : memref<1x24x192xf32, #tpu.memory_space<vmem>> -> memref<24x192xf32, #tpu.memory_space<vmem>>
        %dma_wait3A_205 = arith.constant 0 : i32
        %dma_wait3A_206 = tpu.memref_slice %arg2[%add3A_123, %mul3A_109, %dma_wait3A_205] : memref<1024x192x192xf32, #tpu.memory_space<hbm>> -> memref<1x24x192xf32, #tpu.memory_space<hbm>>
        %dma_wait3A_207 = tpu.memref_squeeze %dma_wait3A_206 : memref<1x24x192xf32, #tpu.memory_space<hbm>> -> memref<24x192xf32, #tpu.memory_space<hbm>>
        tpu.wait_dma2 semaphore(%run_scoped3A_181 : memref<!tpu.dma_semaphore, #tpu.memory_space<semaphore_mem>>) src(%dma_wait3A_207 : memref<24x192xf32, #tpu.memory_space<hbm>>) dst(%dma_wait3A_204 : memref<24x192xf32, #tpu.memory_space<vmem>>)
        tpu.yield
      }) : () -> ()
      %mul3A_125 = arith.constant 8 : i32
      %mul3A_126 = arith.muli %select_n3A, %mul3A_125 : i32
      %add3A_127 = arith.constant 2 : i32
      %add3A_128 = arith.addi %mul3A_126, %add3A_127 : i32
      %mul3A_129 = arith.constant 64 : i32
      %mul3A_130 = arith.muli %add3A_128, %mul3A_129 : i32
      %add3A_131 = arith.addi %mul3A_130, %add3A_107 : i32
      %run_scoped3A_132 = arith.constant 2 : i32
      "tpu.region"() ({
        %run_scoped3A_181 = tpu.sem_alloc : memref<!tpu.dma_semaphore, #tpu.memory_space<semaphore_mem>>
        %dma_start3A = arith.constant 0 : i32
        %dma_start3A_182 = arith.constant 0 : i32
        %dma_start3A_183 = tpu.memref_slice %arg5[%run_scoped3A_132, %dma_start3A, %dma_start3A_182] : memref<8x24x192xf32, #tpu.memory_space<vmem>> -> memref<1x24x192xf32, #tpu.memory_space<vmem>>
        %dma_start3A_184 = tpu.memref_squeeze %dma_start3A_183 : memref<1x24x192xf32, #tpu.memory_space<vmem>> -> memref<24x192xf32, #tpu.memory_space<vmem>>
        %dma_start3A_185 = arith.constant 0 : i32
        %dma_start3A_186 = tpu.memref_slice %arg2[%add3A_131, %mul3A_109, %dma_start3A_185] : memref<1024x192x192xf32, #tpu.memory_space<hbm>> -> memref<1x24x192xf32, #tpu.memory_space<hbm>>
        %dma_start3A_187 = tpu.memref_squeeze %dma_start3A_186 : memref<1x24x192xf32, #tpu.memory_space<hbm>> -> memref<24x192xf32, #tpu.memory_space<hbm>>
        %dma_start3A_188 = arith.constant 0 : i32
        %dma_start3A_189 = arith.constant 0 : i32
        %dma_start3A_190 = tpu.memref_slice %arg5[%run_scoped3A_132, %dma_start3A_188, %dma_start3A_189] : memref<8x24x192xf32, #tpu.memory_space<vmem>> -> memref<1x24x192xf32, #tpu.memory_space<vmem>>
        %dma_start3A_191 = tpu.memref_squeeze %dma_start3A_190 : memref<1x24x192xf32, #tpu.memory_space<vmem>> -> memref<24x192xf32, #tpu.memory_space<vmem>>
        %dma_start3A_192 = arith.constant 0 : i32
        %dma_start3A_193 = tpu.memref_slice %arg2[%add3A_131, %mul3A_109, %dma_start3A_192] : memref<1024x192x192xf32, #tpu.memory_space<hbm>> -> memref<1x24x192xf32, #tpu.memory_space<hbm>>
        %dma_start3A_194 = tpu.memref_squeeze %dma_start3A_193 : memref<1x24x192xf32, #tpu.memory_space<hbm>> -> memref<24x192xf32, #tpu.memory_space<hbm>>
        tpu.enqueue_dma source(%dma_start3A_194 : memref<24x192xf32, #tpu.memory_space<hbm>>) target(%dma_start3A_191 : memref<24x192xf32, #tpu.memory_space<vmem>>) target_semaphore(%run_scoped3A_181 : memref<!tpu.dma_semaphore, #tpu.memory_space<semaphore_mem>>)
        %dma_wait3A = arith.constant 0 : i32
        %dma_wait3A_195 = arith.constant 0 : i32
        %dma_wait3A_196 = tpu.memref_slice %arg5[%run_scoped3A_132, %dma_wait3A, %dma_wait3A_195] : memref<8x24x192xf32, #tpu.memory_space<vmem>> -> memref<1x24x192xf32, #tpu.memory_space<vmem>>
        %dma_wait3A_197 = tpu.memref_squeeze %dma_wait3A_196 : memref<1x24x192xf32, #tpu.memory_space<vmem>> -> memref<24x192xf32, #tpu.memory_space<vmem>>
        %dma_wait3A_198 = arith.constant 0 : i32
        %dma_wait3A_199 = tpu.memref_slice %arg2[%add3A_131, %mul3A_109, %dma_wait3A_198] : memref<1024x192x192xf32, #tpu.memory_space<hbm>> -> memref<1x24x192xf32, #tpu.memory_space<hbm>>
        %dma_wait3A_200 = tpu.memref_squeeze %dma_wait3A_199 : memref<1x24x192xf32, #tpu.memory_space<hbm>> -> memref<24x192xf32, #tpu.memory_space<hbm>>
        %dma_wait3A_201 = arith.constant 0 : i32
        %dma_wait3A_202 = arith.constant 0 : i32
        %dma_wait3A_203 = tpu.memref_slice %arg5[%run_scoped3A_132, %dma_wait3A_201, %dma_wait3A_202] : memref<8x24x192xf32, #tpu.memory_space<vmem>> -> memref<1x24x192xf32, #tpu.memory_space<vmem>>
        %dma_wait3A_204 = tpu.memref_squeeze %dma_wait3A_203 : memref<1x24x192xf32, #tpu.memory_space<vmem>> -> memref<24x192xf32, #tpu.memory_space<vmem>>
        %dma_wait3A_205 = arith.constant 0 : i32
        %dma_wait3A_206 = tpu.memref_slice %arg2[%add3A_131, %mul3A_109, %dma_wait3A_205] : memref<1024x192x192xf32, #tpu.memory_space<hbm>> -> memref<1x24x192xf32, #tpu.memory_space<hbm>>
        %dma_wait3A_207 = tpu.memref_squeeze %dma_wait3A_206 : memref<1x24x192xf32, #tpu.memory_space<hbm>> -> memref<24x192xf32, #tpu.memory_space<hbm>>
        tpu.wait_dma2 semaphore(%run_scoped3A_181 : memref<!tpu.dma_semaphore, #tpu.memory_space<semaphore_mem>>) src(%dma_wait3A_207 : memref<24x192xf32, #tpu.memory_space<hbm>>) dst(%dma_wait3A_204 : memref<24x192xf32, #tpu.memory_space<vmem>>)
        tpu.yield
      }) : () -> ()
      %mul3A_133 = arith.constant 8 : i32
      %mul3A_134 = arith.muli %select_n3A, %mul3A_133 : i32
      %add3A_135 = arith.constant 3 : i32
      %add3A_136 = arith.addi %mul3A_134, %add3A_135 : i32
      %mul3A_137 = arith.constant 64 : i32
      %mul3A_138 = arith.muli %add3A_136, %mul3A_137 : i32
      %add3A_139 = arith.addi %mul3A_138, %add3A_107 : i32
      %run_scoped3A_140 = arith.constant 3 : i32
      "tpu.region"() ({
        %run_scoped3A_181 = tpu.sem_alloc : memref<!tpu.dma_semaphore, #tpu.memory_space<semaphore_mem>>
        %dma_start3A = arith.constant 0 : i32
        %dma_start3A_182 = arith.constant 0 : i32
        %dma_start3A_183 = tpu.memref_slice %arg5[%run_scoped3A_140, %dma_start3A, %dma_start3A_182] : memref<8x24x192xf32, #tpu.memory_space<vmem>> -> memref<1x24x192xf32, #tpu.memory_space<vmem>>
        %dma_start3A_184 = tpu.memref_squeeze %dma_start3A_183 : memref<1x24x192xf32, #tpu.memory_space<vmem>> -> memref<24x192xf32, #tpu.memory_space<vmem>>
        %dma_start3A_185 = arith.constant 0 : i32
        %dma_start3A_186 = tpu.memref_slice %arg2[%add3A_139, %mul3A_109, %dma_start3A_185] : memref<1024x192x192xf32, #tpu.memory_space<hbm>> -> memref<1x24x192xf32, #tpu.memory_space<hbm>>
        %dma_start3A_187 = tpu.memref_squeeze %dma_start3A_186 : memref<1x24x192xf32, #tpu.memory_space<hbm>> -> memref<24x192xf32, #tpu.memory_space<hbm>>
        %dma_start3A_188 = arith.constant 0 : i32
        %dma_start3A_189 = arith.constant 0 : i32
        %dma_start3A_190 = tpu.memref_slice %arg5[%run_scoped3A_140, %dma_start3A_188, %dma_start3A_189] : memref<8x24x192xf32, #tpu.memory_space<vmem>> -> memref<1x24x192xf32, #tpu.memory_space<vmem>>
        %dma_start3A_191 = tpu.memref_squeeze %dma_start3A_190 : memref<1x24x192xf32, #tpu.memory_space<vmem>> -> memref<24x192xf32, #tpu.memory_space<vmem>>
        %dma_start3A_192 = arith.constant 0 : i32
        %dma_start3A_193 = tpu.memref_slice %arg2[%add3A_139, %mul3A_109, %dma_start3A_192] : memref<1024x192x192xf32, #tpu.memory_space<hbm>> -> memref<1x24x192xf32, #tpu.memory_space<hbm>>
        %dma_start3A_194 = tpu.memref_squeeze %dma_start3A_193 : memref<1x24x192xf32, #tpu.memory_space<hbm>> -> memref<24x192xf32, #tpu.memory_space<hbm>>
        tpu.enqueue_dma source(%dma_start3A_194 : memref<24x192xf32, #tpu.memory_space<hbm>>) target(%dma_start3A_191 : memref<24x192xf32, #tpu.memory_space<vmem>>) target_semaphore(%run_scoped3A_181 : memref<!tpu.dma_semaphore, #tpu.memory_space<semaphore_mem>>)
        %dma_wait3A = arith.constant 0 : i32
        %dma_wait3A_195 = arith.constant 0 : i32
        %dma_wait3A_196 = tpu.memref_slice %arg5[%run_scoped3A_140, %dma_wait3A, %dma_wait3A_195] : memref<8x24x192xf32, #tpu.memory_space<vmem>> -> memref<1x24x192xf32, #tpu.memory_space<vmem>>
        %dma_wait3A_197 = tpu.memref_squeeze %dma_wait3A_196 : memref<1x24x192xf32, #tpu.memory_space<vmem>> -> memref<24x192xf32, #tpu.memory_space<vmem>>
        %dma_wait3A_198 = arith.constant 0 : i32
        %dma_wait3A_199 = tpu.memref_slice %arg2[%add3A_139, %mul3A_109, %dma_wait3A_198] : memref<1024x192x192xf32, #tpu.memory_space<hbm>> -> memref<1x24x192xf32, #tpu.memory_space<hbm>>
        %dma_wait3A_200 = tpu.memref_squeeze %dma_wait3A_199 : memref<1x24x192xf32, #tpu.memory_space<hbm>> -> memref<24x192xf32, #tpu.memory_space<hbm>>
        %dma_wait3A_201 = arith.constant 0 : i32
        %dma_wait3A_202 = arith.constant 0 : i32
        %dma_wait3A_203 = tpu.memref_slice %arg5[%run_scoped3A_140, %dma_wait3A_201, %dma_wait3A_202] : memref<8x24x192xf32, #tpu.memory_space<vmem>> -> memref<1x24x192xf32, #tpu.memory_space<vmem>>
        %dma_wait3A_204 = tpu.memref_squeeze %dma_wait3A_203 : memref<1x24x192xf32, #tpu.memory_space<vmem>> -> memref<24x192xf32, #tpu.memory_space<vmem>>
        %dma_wait3A_205 = arith.constant 0 : i32
        %dma_wait3A_206 = tpu.memref_slice %arg2[%add3A_139, %mul3A_109, %dma_wait3A_205] : memref<1024x192x192xf32, #tpu.memory_space<hbm>> -> memref<1x24x192xf32, #tpu.memory_space<hbm>>
        %dma_wait3A_207 = tpu.memref_squeeze %dma_wait3A_206 : memref<1x24x192xf32, #tpu.memory_space<hbm>> -> memref<24x192xf32, #tpu.memory_space<hbm>>
        tpu.wait_dma2 semaphore(%run_scoped3A_181 : memref<!tpu.dma_semaphore, #tpu.memory_space<semaphore_mem>>) src(%dma_wait3A_207 : memref<24x192xf32, #tpu.memory_space<hbm>>) dst(%dma_wait3A_204 : memref<24x192xf32, #tpu.memory_space<vmem>>)
        tpu.yield
      }) : () -> ()
      %mul3A_141 = arith.constant 8 : i32
      %mul3A_142 = arith.muli %select_n3A, %mul3A_141 : i32
      %add3A_143 = arith.constant 4 : i32
      %add3A_144 = arith.addi %mul3A_142, %add3A_143 : i32
      %mul3A_145 = arith.constant 64 : i32
      %mul3A_146 = arith.muli %add3A_144, %mul3A_145 : i32
      %add3A_147 = arith.addi %mul3A_146, %add3A_107 : i32
      %run_scoped3A_148 = arith.constant 4 : i32
      "tpu.region"() ({
        %run_scoped3A_181 = tpu.sem_alloc : memref<!tpu.dma_semaphore, #tpu.memory_space<semaphore_mem>>
        %dma_start3A = arith.constant 0 : i32
        %dma_start3A_182 = arith.constant 0 : i32
        %dma_start3A_183 = tpu.memref_slice %arg5[%run_scoped3A_148, %dma_start3A, %dma_start3A_182] : memref<8x24x192xf32, #tpu.memory_space<vmem>> -> memref<1x24x192xf32, #tpu.memory_space<vmem>>
        %dma_start3A_184 = tpu.memref_squeeze %dma_start3A_183 : memref<1x24x192xf32, #tpu.memory_space<vmem>> -> memref<24x192xf32, #tpu.memory_space<vmem>>
        %dma_start3A_185 = arith.constant 0 : i32
        %dma_start3A_186 = tpu.memref_slice %arg2[%add3A_147, %mul3A_109, %dma_start3A_185] : memref<1024x192x192xf32, #tpu.memory_space<hbm>> -> memref<1x24x192xf32, #tpu.memory_space<hbm>>
        %dma_start3A_187 = tpu.memref_squeeze %dma_start3A_186 : memref<1x24x192xf32, #tpu.memory_space<hbm>> -> memref<24x192xf32, #tpu.memory_space<hbm>>
        %dma_start3A_188 = arith.constant 0 : i32
        %dma_start3A_189 = arith.constant 0 : i32
        %dma_start3A_190 = tpu.memref_slice %arg5[%run_scoped3A_148, %dma_start3A_188, %dma_start3A_189] : memref<8x24x192xf32, #tpu.memory_space<vmem>> -> memref<1x24x192xf32, #tpu.memory_space<vmem>>
        %dma_start3A_191 = tpu.memref_squeeze %dma_start3A_190 : memref<1x24x192xf32, #tpu.memory_space<vmem>> -> memref<24x192xf32, #tpu.memory_space<vmem>>
        %dma_start3A_192 = arith.constant 0 : i32
        %dma_start3A_193 = tpu.memref_slice %arg2[%add3A_147, %mul3A_109, %dma_start3A_192] : memref<1024x192x192xf32, #tpu.memory_space<hbm>> -> memref<1x24x192xf32, #tpu.memory_space<hbm>>
        %dma_start3A_194 = tpu.memref_squeeze %dma_start3A_193 : memref<1x24x192xf32, #tpu.memory_space<hbm>> -> memref<24x192xf32, #tpu.memory_space<hbm>>
        tpu.enqueue_dma source(%dma_start3A_194 : memref<24x192xf32, #tpu.memory_space<hbm>>) target(%dma_start3A_191 : memref<24x192xf32, #tpu.memory_space<vmem>>) target_semaphore(%run_scoped3A_181 : memref<!tpu.dma_semaphore, #tpu.memory_space<semaphore_mem>>)
        %dma_wait3A = arith.constant 0 : i32
        %dma_wait3A_195 = arith.constant 0 : i32
        %dma_wait3A_196 = tpu.memref_slice %arg5[%run_scoped3A_148, %dma_wait3A, %dma_wait3A_195] : memref<8x24x192xf32, #tpu.memory_space<vmem>> -> memref<1x24x192xf32, #tpu.memory_space<vmem>>
        %dma_wait3A_197 = tpu.memref_squeeze %dma_wait3A_196 : memref<1x24x192xf32, #tpu.memory_space<vmem>> -> memref<24x192xf32, #tpu.memory_space<vmem>>
        %dma_wait3A_198 = arith.constant 0 : i32
        %dma_wait3A_199 = tpu.memref_slice %arg2[%add3A_147, %mul3A_109, %dma_wait3A_198] : memref<1024x192x192xf32, #tpu.memory_space<hbm>> -> memref<1x24x192xf32, #tpu.memory_space<hbm>>
        %dma_wait3A_200 = tpu.memref_squeeze %dma_wait3A_199 : memref<1x24x192xf32, #tpu.memory_space<hbm>> -> memref<24x192xf32, #tpu.memory_space<hbm>>
        %dma_wait3A_201 = arith.constant 0 : i32
        %dma_wait3A_202 = arith.constant 0 : i32
        %dma_wait3A_203 = tpu.memref_slice %arg5[%run_scoped3A_148, %dma_wait3A_201, %dma_wait3A_202] : memref<8x24x192xf32, #tpu.memory_space<vmem>> -> memref<1x24x192xf32, #tpu.memory_space<vmem>>
        %dma_wait3A_204 = tpu.memref_squeeze %dma_wait3A_203 : memref<1x24x192xf32, #tpu.memory_space<vmem>> -> memref<24x192xf32, #tpu.memory_space<vmem>>
        %dma_wait3A_205 = arith.constant 0 : i32
        %dma_wait3A_206 = tpu.memref_slice %arg2[%add3A_147, %mul3A_109, %dma_wait3A_205] : memref<1024x192x192xf32, #tpu.memory_space<hbm>> -> memref<1x24x192xf32, #tpu.memory_space<hbm>>
        %dma_wait3A_207 = tpu.memref_squeeze %dma_wait3A_206 : memref<1x24x192xf32, #tpu.memory_space<hbm>> -> memref<24x192xf32, #tpu.memory_space<hbm>>
        tpu.wait_dma2 semaphore(%run_scoped3A_181 : memref<!tpu.dma_semaphore, #tpu.memory_space<semaphore_mem>>) src(%dma_wait3A_207 : memref<24x192xf32, #tpu.memory_space<hbm>>) dst(%dma_wait3A_204 : memref<24x192xf32, #tpu.memory_space<vmem>>)
        tpu.yield
      }) : () -> ()
      %mul3A_149 = arith.constant 8 : i32
      %mul3A_150 = arith.muli %select_n3A, %mul3A_149 : i32
      %add3A_151 = arith.constant 5 : i32
      %add3A_152 = arith.addi %mul3A_150, %add3A_151 : i32
      %mul3A_153 = arith.constant 64 : i32
      %mul3A_154 = arith.muli %add3A_152, %mul3A_153 : i32
      %add3A_155 = arith.addi %mul3A_154, %add3A_107 : i32
      %run_scoped3A_156 = arith.constant 5 : i32
      "tpu.region"() ({
        %run_scoped3A_181 = tpu.sem_alloc : memref<!tpu.dma_semaphore, #tpu.memory_space<semaphore_mem>>
        %dma_start3A = arith.constant 0 : i32
        %dma_start3A_182 = arith.constant 0 : i32
        %dma_start3A_183 = tpu.memref_slice %arg5[%run_scoped3A_156, %dma_start3A, %dma_start3A_182] : memref<8x24x192xf32, #tpu.memory_space<vmem>> -> memref<1x24x192xf32, #tpu.memory_space<vmem>>
        %dma_start3A_184 = tpu.memref_squeeze %dma_start3A_183 : memref<1x24x192xf32, #tpu.memory_space<vmem>> -> memref<24x192xf32, #tpu.memory_space<vmem>>
        %dma_start3A_185 = arith.constant 0 : i32
        %dma_start3A_186 = tpu.memref_slice %arg2[%add3A_155, %mul3A_109, %dma_start3A_185] : memref<1024x192x192xf32, #tpu.memory_space<hbm>> -> memref<1x24x192xf32, #tpu.memory_space<hbm>>
        %dma_start3A_187 = tpu.memref_squeeze %dma_start3A_186 : memref<1x24x192xf32, #tpu.memory_space<hbm>> -> memref<24x192xf32, #tpu.memory_space<hbm>>
        %dma_start3A_188 = arith.constant 0 : i32
        %dma_start3A_189 = arith.constant 0 : i32
        %dma_start3A_190 = tpu.memref_slice %arg5[%run_scoped3A_156, %dma_start3A_188, %dma_start3A_189] : memref<8x24x192xf32, #tpu.memory_space<vmem>> -> memref<1x24x192xf32, #tpu.memory_space<vmem>>
        %dma_start3A_191 = tpu.memref_squeeze %dma_start3A_190 : memref<1x24x192xf32, #tpu.memory_space<vmem>> -> memref<24x192xf32, #tpu.memory_space<vmem>>
        %dma_start3A_192 = arith.constant 0 : i32
        %dma_start3A_193 = tpu.memref_slice %arg2[%add3A_155, %mul3A_109, %dma_start3A_192] : memref<1024x192x192xf32, #tpu.memory_space<hbm>> -> memref<1x24x192xf32, #tpu.memory_space<hbm>>
        %dma_start3A_194 = tpu.memref_squeeze %dma_start3A_193 : memref<1x24x192xf32, #tpu.memory_space<hbm>> -> memref<24x192xf32, #tpu.memory_space<hbm>>
        tpu.enqueue_dma source(%dma_start3A_194 : memref<24x192xf32, #tpu.memory_space<hbm>>) target(%dma_start3A_191 : memref<24x192xf32, #tpu.memory_space<vmem>>) target_semaphore(%run_scoped3A_181 : memref<!tpu.dma_semaphore, #tpu.memory_space<semaphore_mem>>)
        %dma_wait3A = arith.constant 0 : i32
        %dma_wait3A_195 = arith.constant 0 : i32
        %dma_wait3A_196 = tpu.memref_slice %arg5[%run_scoped3A_156, %dma_wait3A, %dma_wait3A_195] : memref<8x24x192xf32, #tpu.memory_space<vmem>> -> memref<1x24x192xf32, #tpu.memory_space<vmem>>
        %dma_wait3A_197 = tpu.memref_squeeze %dma_wait3A_196 : memref<1x24x192xf32, #tpu.memory_space<vmem>> -> memref<24x192xf32, #tpu.memory_space<vmem>>
        %dma_wait3A_198 = arith.constant 0 : i32
        %dma_wait3A_199 = tpu.memref_slice %arg2[%add3A_155, %mul3A_109, %dma_wait3A_198] : memref<1024x192x192xf32, #tpu.memory_space<hbm>> -> memref<1x24x192xf32, #tpu.memory_space<hbm>>
        %dma_wait3A_200 = tpu.memref_squeeze %dma_wait3A_199 : memref<1x24x192xf32, #tpu.memory_space<hbm>> -> memref<24x192xf32, #tpu.memory_space<hbm>>
        %dma_wait3A_201 = arith.constant 0 : i32
        %dma_wait3A_202 = arith.constant 0 : i32
        %dma_wait3A_203 = tpu.memref_slice %arg5[%run_scoped3A_156, %dma_wait3A_201, %dma_wait3A_202] : memref<8x24x192xf32, #tpu.memory_space<vmem>> -> memref<1x24x192xf32, #tpu.memory_space<vmem>>
        %dma_wait3A_204 = tpu.memref_squeeze %dma_wait3A_203 : memref<1x24x192xf32, #tpu.memory_space<vmem>> -> memref<24x192xf32, #tpu.memory_space<vmem>>
        %dma_wait3A_205 = arith.constant 0 : i32
        %dma_wait3A_206 = tpu.memref_slice %arg2[%add3A_155, %mul3A_109, %dma_wait3A_205] : memref<1024x192x192xf32, #tpu.memory_space<hbm>> -> memref<1x24x192xf32, #tpu.memory_space<hbm>>
        %dma_wait3A_207 = tpu.memref_squeeze %dma_wait3A_206 : memref<1x24x192xf32, #tpu.memory_space<hbm>> -> memref<24x192xf32, #tpu.memory_space<hbm>>
        tpu.wait_dma2 semaphore(%run_scoped3A_181 : memref<!tpu.dma_semaphore, #tpu.memory_space<semaphore_mem>>) src(%dma_wait3A_207 : memref<24x192xf32, #tpu.memory_space<hbm>>) dst(%dma_wait3A_204 : memref<24x192xf32, #tpu.memory_space<vmem>>)
        tpu.yield
      }) : () -> ()
      %mul3A_157 = arith.constant 8 : i32
      %mul3A_158 = arith.muli %select_n3A, %mul3A_157 : i32
      %add3A_159 = arith.constant 6 : i32
      %add3A_160 = arith.addi %mul3A_158, %add3A_159 : i32
      %mul3A_161 = arith.constant 64 : i32
      %mul3A_162 = arith.muli %add3A_160, %mul3A_161 : i32
      %add3A_163 = arith.addi %mul3A_162, %add3A_107 : i32
      %run_scoped3A_164 = arith.constant 6 : i32
      "tpu.region"() ({
        %run_scoped3A_181 = tpu.sem_alloc : memref<!tpu.dma_semaphore, #tpu.memory_space<semaphore_mem>>
        %dma_start3A = arith.constant 0 : i32
        %dma_start3A_182 = arith.constant 0 : i32
        %dma_start3A_183 = tpu.memref_slice %arg5[%run_scoped3A_164, %dma_start3A, %dma_start3A_182] : memref<8x24x192xf32, #tpu.memory_space<vmem>> -> memref<1x24x192xf32, #tpu.memory_space<vmem>>
        %dma_start3A_184 = tpu.memref_squeeze %dma_start3A_183 : memref<1x24x192xf32, #tpu.memory_space<vmem>> -> memref<24x192xf32, #tpu.memory_space<vmem>>
        %dma_start3A_185 = arith.constant 0 : i32
        %dma_start3A_186 = tpu.memref_slice %arg2[%add3A_163, %mul3A_109, %dma_start3A_185] : memref<1024x192x192xf32, #tpu.memory_space<hbm>> -> memref<1x24x192xf32, #tpu.memory_space<hbm>>
        %dma_start3A_187 = tpu.memref_squeeze %dma_start3A_186 : memref<1x24x192xf32, #tpu.memory_space<hbm>> -> memref<24x192xf32, #tpu.memory_space<hbm>>
        %dma_start3A_188 = arith.constant 0 : i32
        %dma_start3A_189 = arith.constant 0 : i32
        %dma_start3A_190 = tpu.memref_slice %arg5[%run_scoped3A_164, %dma_start3A_188, %dma_start3A_189] : memref<8x24x192xf32, #tpu.memory_space<vmem>> -> memref<1x24x192xf32, #tpu.memory_space<vmem>>
        %dma_start3A_191 = tpu.memref_squeeze %dma_start3A_190 : memref<1x24x192xf32, #tpu.memory_space<vmem>> -> memref<24x192xf32, #tpu.memory_space<vmem>>
        %dma_start3A_192 = arith.constant 0 : i32
        %dma_start3A_193 = tpu.memref_slice %arg2[%add3A_163, %mul3A_109, %dma_start3A_192] : memref<1024x192x192xf32, #tpu.memory_space<hbm>> -> memref<1x24x192xf32, #tpu.memory_space<hbm>>
        %dma_start3A_194 = tpu.memref_squeeze %dma_start3A_193 : memref<1x24x192xf32, #tpu.memory_space<hbm>> -> memref<24x192xf32, #tpu.memory_space<hbm>>
        tpu.enqueue_dma source(%dma_start3A_194 : memref<24x192xf32, #tpu.memory_space<hbm>>) target(%dma_start3A_191 : memref<24x192xf32, #tpu.memory_space<vmem>>) target_semaphore(%run_scoped3A_181 : memref<!tpu.dma_semaphore, #tpu.memory_space<semaphore_mem>>)
        %dma_wait3A = arith.constant 0 : i32
        %dma_wait3A_195 = arith.constant 0 : i32
        %dma_wait3A_196 = tpu.memref_slice %arg5[%run_scoped3A_164, %dma_wait3A, %dma_wait3A_195] : memref<8x24x192xf32, #tpu.memory_space<vmem>> -> memref<1x24x192xf32, #tpu.memory_space<vmem>>
        %dma_wait3A_197 = tpu.memref_squeeze %dma_wait3A_196 : memref<1x24x192xf32, #tpu.memory_space<vmem>> -> memref<24x192xf32, #tpu.memory_space<vmem>>
        %dma_wait3A_198 = arith.constant 0 : i32
        %dma_wait3A_199 = tpu.memref_slice %arg2[%add3A_163, %mul3A_109, %dma_wait3A_198] : memref<1024x192x192xf32, #tpu.memory_space<hbm>> -> memref<1x24x192xf32, #tpu.memory_space<hbm>>
        %dma_wait3A_200 = tpu.memref_squeeze %dma_wait3A_199 : memref<1x24x192xf32, #tpu.memory_space<hbm>> -> memref<24x192xf32, #tpu.memory_space<hbm>>
        %dma_wait3A_201 = arith.constant 0 : i32
        %dma_wait3A_202 = arith.constant 0 : i32
        %dma_wait3A_203 = tpu.memref_slice %arg5[%run_scoped3A_164, %dma_wait3A_201, %dma_wait3A_202] : memref<8x24x192xf32, #tpu.memory_space<vmem>> -> memref<1x24x192xf32, #tpu.memory_space<vmem>>
        %dma_wait3A_204 = tpu.memref_squeeze %dma_wait3A_203 : memref<1x24x192xf32, #tpu.memory_space<vmem>> -> memref<24x192xf32, #tpu.memory_space<vmem>>
        %dma_wait3A_205 = arith.constant 0 : i32
        %dma_wait3A_206 = tpu.memref_slice %arg2[%add3A_163, %mul3A_109, %dma_wait3A_205] : memref<1024x192x192xf32, #tpu.memory_space<hbm>> -> memref<1x24x192xf32, #tpu.memory_space<hbm>>
        %dma_wait3A_207 = tpu.memref_squeeze %dma_wait3A_206 : memref<1x24x192xf32, #tpu.memory_space<hbm>> -> memref<24x192xf32, #tpu.memory_space<hbm>>
        tpu.wait_dma2 semaphore(%run_scoped3A_181 : memref<!tpu.dma_semaphore, #tpu.memory_space<semaphore_mem>>) src(%dma_wait3A_207 : memref<24x192xf32, #tpu.memory_space<hbm>>) dst(%dma_wait3A_204 : memref<24x192xf32, #tpu.memory_space<vmem>>)
        tpu.yield
      }) : () -> ()
      %mul3A_165 = arith.constant 8 : i32
      %mul3A_166 = arith.muli %select_n3A, %mul3A_165 : i32
      %add3A_167 = arith.constant 7 : i32
      %add3A_168 = arith.addi %mul3A_166, %add3A_167 : i32
      %mul3A_169 = arith.constant 64 : i32
      %mul3A_170 = arith.muli %add3A_168, %mul3A_169 : i32
      %add3A_171 = arith.addi %mul3A_170, %add3A_107 : i32
      %run_scoped3A_172 = arith.constant 7 : i32
      "tpu.region"() ({
        %run_scoped3A_181 = tpu.sem_alloc : memref<!tpu.dma_semaphore, #tpu.memory_space<semaphore_mem>>
        %dma_start3A = arith.constant 0 : i32
        %dma_start3A_182 = arith.constant 0 : i32
        %dma_start3A_183 = tpu.memref_slice %arg5[%run_scoped3A_172, %dma_start3A, %dma_start3A_182] : memref<8x24x192xf32, #tpu.memory_space<vmem>> -> memref<1x24x192xf32, #tpu.memory_space<vmem>>
        %dma_start3A_184 = tpu.memref_squeeze %dma_start3A_183 : memref<1x24x192xf32, #tpu.memory_space<vmem>> -> memref<24x192xf32, #tpu.memory_space<vmem>>
        %dma_start3A_185 = arith.constant 0 : i32
        %dma_start3A_186 = tpu.memref_slice %arg2[%add3A_171, %mul3A_109, %dma_start3A_185] : memref<1024x192x192xf32, #tpu.memory_space<hbm>> -> memref<1x24x192xf32, #tpu.memory_space<hbm>>
        %dma_start3A_187 = tpu.memref_squeeze %dma_start3A_186 : memref<1x24x192xf32, #tpu.memory_space<hbm>> -> memref<24x192xf32, #tpu.memory_space<hbm>>
        %dma_start3A_188 = arith.constant 0 : i32
        %dma_start3A_189 = arith.constant 0 : i32
        %dma_start3A_190 = tpu.memref_slice %arg5[%run_scoped3A_172, %dma_start3A_188, %dma_start3A_189] : memref<8x24x192xf32, #tpu.memory_space<vmem>> -> memref<1x24x192xf32, #tpu.memory_space<vmem>>
        %dma_start3A_191 = tpu.memref_squeeze %dma_start3A_190 : memref<1x24x192xf32, #tpu.memory_space<vmem>> -> memref<24x192xf32, #tpu.memory_space<vmem>>
        %dma_start3A_192 = arith.constant 0 : i32
        %dma_start3A_193 = tpu.memref_slice %arg2[%add3A_171, %mul3A_109, %dma_start3A_192] : memref<1024x192x192xf32, #tpu.memory_space<hbm>> -> memref<1x24x192xf32, #tpu.memory_space<hbm>>
        %dma_start3A_194 = tpu.memref_squeeze %dma_start3A_193 : memref<1x24x192xf32, #tpu.memory_space<hbm>> -> memref<24x192xf32, #tpu.memory_space<hbm>>
        tpu.enqueue_dma source(%dma_start3A_194 : memref<24x192xf32, #tpu.memory_space<hbm>>) target(%dma_start3A_191 : memref<24x192xf32, #tpu.memory_space<vmem>>) target_semaphore(%run_scoped3A_181 : memref<!tpu.dma_semaphore, #tpu.memory_space<semaphore_mem>>)
        %dma_wait3A = arith.constant 0 : i32
        %dma_wait3A_195 = arith.constant 0 : i32
        %dma_wait3A_196 = tpu.memref_slice %arg5[%run_scoped3A_172, %dma_wait3A, %dma_wait3A_195] : memref<8x24x192xf32, #tpu.memory_space<vmem>> -> memref<1x24x192xf32, #tpu.memory_space<vmem>>
        %dma_wait3A_197 = tpu.memref_squeeze %dma_wait3A_196 : memref<1x24x192xf32, #tpu.memory_space<vmem>> -> memref<24x192xf32, #tpu.memory_space<vmem>>
        %dma_wait3A_198 = arith.constant 0 : i32
        %dma_wait3A_199 = tpu.memref_slice %arg2[%add3A_171, %mul3A_109, %dma_wait3A_198] : memref<1024x192x192xf32, #tpu.memory_space<hbm>> -> memref<1x24x192xf32, #tpu.memory_space<hbm>>
        %dma_wait3A_200 = tpu.memref_squeeze %dma_wait3A_199 : memref<1x24x192xf32, #tpu.memory_space<hbm>> -> memref<24x192xf32, #tpu.memory_space<hbm>>
        %dma_wait3A_201 = arith.constant 0 : i32
        %dma_wait3A_202 = arith.constant 0 : i32
        %dma_wait3A_203 = tpu.memref_slice %arg5[%run_scoped3A_172, %dma_wait3A_201, %dma_wait3A_202] : memref<8x24x192xf32, #tpu.memory_space<vmem>> -> memref<1x24x192xf32, #tpu.memory_space<vmem>>
        %dma_wait3A_204 = tpu.memref_squeeze %dma_wait3A_203 : memref<1x24x192xf32, #tpu.memory_space<vmem>> -> memref<24x192xf32, #tpu.memory_space<vmem>>
        %dma_wait3A_205 = arith.constant 0 : i32
        %dma_wait3A_206 = tpu.memref_slice %arg2[%add3A_171, %mul3A_109, %dma_wait3A_205] : memref<1024x192x192xf32, #tpu.memory_space<hbm>> -> memref<1x24x192xf32, #tpu.memory_space<hbm>>
        %dma_wait3A_207 = tpu.memref_squeeze %dma_wait3A_206 : memref<1x24x192xf32, #tpu.memory_space<hbm>> -> memref<24x192xf32, #tpu.memory_space<hbm>>
        tpu.wait_dma2 semaphore(%run_scoped3A_181 : memref<!tpu.dma_semaphore, #tpu.memory_space<semaphore_mem>>) src(%dma_wait3A_207 : memref<24x192xf32, #tpu.memory_space<hbm>>) dst(%dma_wait3A_204 : memref<24x192xf32, #tpu.memory_space<vmem>>)
        tpu.yield
      }) : () -> ()
      %mul3A_173 = arith.constant 64 : i32
      %mul3A_174 = arith.muli %select_n3A, %mul3A_173 : i32
      %add3A_175 = arith.addi %mul3A_174, %add3A_107 : i32
      "tpu.region"() ({
        %run_scoped3A_181 = tpu.sem_alloc : memref<!tpu.dma_semaphore, #tpu.memory_space<semaphore_mem>>
        %dma_start3A = arith.constant 0 : i32
        %dma_start3A_182 = tpu.memref_slice %arg3[%add3A_175, %mul3A_109, %dma_start3A] : memref<128x192x192xi32, #tpu.memory_space<hbm>> -> memref<1x24x192xi32, #tpu.memory_space<hbm>>
        %dma_start3A_183 = tpu.memref_squeeze %dma_start3A_182 : memref<1x24x192xi32, #tpu.memory_space<hbm>> -> memref<24x192xi32, #tpu.memory_space<hbm>>
        %dma_start3A_184 = arith.constant 0 : i32
        %dma_start3A_185 = tpu.memref_slice %arg3[%add3A_175, %mul3A_109, %dma_start3A_184] : memref<128x192x192xi32, #tpu.memory_space<hbm>> -> memref<1x24x192xi32, #tpu.memory_space<hbm>>
        %dma_start3A_186 = tpu.memref_squeeze %dma_start3A_185 : memref<1x24x192xi32, #tpu.memory_space<hbm>> -> memref<24x192xi32, #tpu.memory_space<hbm>>
        tpu.enqueue_dma source(%dma_start3A_186 : memref<24x192xi32, #tpu.memory_space<hbm>>) target(%arg6 : memref<24x192xi32, #tpu.memory_space<vmem>>) target_semaphore(%run_scoped3A_181 : memref<!tpu.dma_semaphore, #tpu.memory_space<semaphore_mem>>)
        %dma_wait3A = arith.constant 0 : i32
        %dma_wait3A_187 = tpu.memref_slice %arg3[%add3A_175, %mul3A_109, %dma_wait3A] : memref<128x192x192xi32, #tpu.memory_space<hbm>> -> memref<1x24x192xi32, #tpu.memory_space<hbm>>
        %dma_wait3A_188 = tpu.memref_squeeze %dma_wait3A_187 : memref<1x24x192xi32, #tpu.memory_space<hbm>> -> memref<24x192xi32, #tpu.memory_space<hbm>>
        %dma_wait3A_189 = arith.constant 0 : i32
        %dma_wait3A_190 = tpu.memref_slice %arg3[%add3A_175, %mul3A_109, %dma_wait3A_189] : memref<128x192x192xi32, #tpu.memory_space<hbm>> -> memref<1x24x192xi32, #tpu.memory_space<hbm>>
        %dma_wait3A_191 = tpu.memref_squeeze %dma_wait3A_190 : memref<1x24x192xi32, #tpu.memory_space<hbm>> -> memref<24x192xi32, #tpu.memory_space<hbm>>
        tpu.wait_dma2 semaphore(%run_scoped3A_181 : memref<!tpu.dma_semaphore, #tpu.memory_space<semaphore_mem>>) src(%dma_wait3A_191 : memref<24x192xi32, #tpu.memory_space<hbm>>) dst(%arg6 : memref<24x192xi32, #tpu.memory_space<vmem>>)
        tpu.yield
      }) : () -> ()
      %scan3A_176 = arith.constant 0 : i32
      %scan3A_177 = arith.constant 24 : i32
      %scan3A_178 = arith.addi %scan3A_176, %scan3A_177 : i32
      %scan3A_179 = arith.constant 1 : i32
      scf.for %scan3A_181 = %scan3A_176 to %scan3A_178 step %scan3A_179  : i32 {
        %scan3A_182 = arith.constant 0 : i32
        %scan3A_183 = arith.constant 12 : i32
        %scan3A_184 = arith.addi %scan3A_182, %scan3A_183 : i32
        %scan3A_185 = arith.constant 1 : i32
        scf.for %scan3A_187 = %scan3A_182 to %scan3A_184 step %scan3A_185  : i32 {
          %mul3A_188 = arith.constant 16 : i32
          %mul3A_189 = arith.muli %scan3A_187, %mul3A_188 : i32
          %get3A = arith.constant 0 : i32
          %get3A_190 = arith.index_cast %get3A : i32 to index
          %get3A_191 = arith.index_cast %scan3A_181 : i32 to index
          %get3A_192 = arith.index_cast %mul3A_189 : i32 to index
          %get3A_193 = tpu.vector_load %arg5[%get3A_190, %get3A_191, %get3A_192] {strides = array<i32>} : memref<8x24x192xf32, #tpu.memory_space<vmem>>, vector<16xf32>,
          %broadcast_in_dim3A_194 = arith.constant 0 : i32
          %broadcast_in_dim3A_195 = vector.broadcast %broadcast_in_dim3A_194 : i32 to vector<16xi32>
          %get3A_196 = arith.constant 1 : i32
          %get3A_197 = arith.index_cast %get3A_196 : i32 to index
          %get3A_198 = arith.index_cast %scan3A_181 : i32 to index
          %get3A_199 = arith.index_cast %mul3A_189 : i32 to index
          %get3A_200 = tpu.vector_load %arg5[%get3A_197, %get3A_198, %get3A_199] {strides = array<i32>} : memref<8x24x192xf32, #tpu.memory_space<vmem>>, vector<16xf32>,
          %gt3A = arith.cmpf ogt, %get3A_200, %get3A_193 : vector<16xf32>
          %select_n3A_201 = arith.select %gt3A, %get3A_200, %get3A_193 : vector<16xi1>, vector<16xf32>
          %jit3A_202 = arith.constant 1 : i32
          %broadcast_in_dim3A_203 = vector.broadcast %jit3A_202 : i32 to vector<16xi32>
          %select_n3A_204 = arith.select %gt3A, %broadcast_in_dim3A_203, %broadcast_in_dim3A_195 : vector<16xi1>, vector<16xi32>
          %get3A_205 = arith.constant 2 : i32
          %get3A_206 = arith.index_cast %get3A_205 : i32 to index
          %get3A_207 = arith.index_cast %scan3A_181 : i32 to index
          %get3A_208 = arith.index_cast %mul3A_189 : i32 to index
          %get3A_209 = tpu.vector_load %arg5[%get3A_206, %get3A_207, %get3A_208] {strides = array<i32>} : memref<8x24x192xf32, #tpu.memory_space<vmem>>, vector<16xf32>,
          %gt3A_210 = arith.cmpf ogt, %get3A_209, %select_n3A_201 : vector<16xf32>
          %select_n3A_211 = arith.select %gt3A_210, %get3A_209, %select_n3A_201 : vector<16xi1>, vector<16xf32>
          %jit3A_212 = arith.constant 2 : i32
          %broadcast_in_dim3A_213 = vector.broadcast %jit3A_212 : i32 to vector<16xi32>
          %select_n3A_214 = arith.select %gt3A_210, %broadcast_in_dim3A_213, %select_n3A_204 : vector<16xi1>, vector<16xi32>
          %get3A_215 = arith.constant 3 : i32
          %get3A_216 = arith.index_cast %get3A_215 : i32 to index
          %get3A_217 = arith.index_cast %scan3A_181 : i32 to index
          %get3A_218 = arith.index_cast %mul3A_189 : i32 to index
          %get3A_219 = tpu.vector_load %arg5[%get3A_216, %get3A_217, %get3A_218] {strides = array<i32>} : memref<8x24x192xf32, #tpu.memory_space<vmem>>, vector<16xf32>,
          %gt3A_220 = arith.cmpf ogt, %get3A_219, %select_n3A_211 : vector<16xf32>
          %select_n3A_221 = arith.select %gt3A_220, %get3A_219, %select_n3A_211 : vector<16xi1>, vector<16xf32>
          %jit3A_222 = arith.constant 3 : i32
          %broadcast_in_dim3A_223 = vector.broadcast %jit3A_222 : i32 to vector<16xi32>
          %select_n3A_224 = arith.select %gt3A_220, %broadcast_in_dim3A_223, %select_n3A_214 : vector<16xi1>, vector<16xi32>
          %get3A_225 = arith.constant 4 : i32
          %get3A_226 = arith.index_cast %get3A_225 : i32 to index
          %get3A_227 = arith.index_cast %scan3A_181 : i32 to index
          %get3A_228 = arith.index_cast %mul3A_189 : i32 to index
          %get3A_229 = tpu.vector_load %arg5[%get3A_226, %get3A_227, %get3A_228] {strides = array<i32>} : memref<8x24x192xf32, #tpu.memory_space<vmem>>, vector<16xf32>,
          %gt3A_230 = arith.cmpf ogt, %get3A_229, %select_n3A_221 : vector<16xf32>
          %select_n3A_231 = arith.select %gt3A_230, %get3A_229, %select_n3A_221 : vector<16xi1>, vector<16xf32>
          %jit3A_232 = arith.constant 4 : i32
          %broadcast_in_dim3A_233 = vector.broadcast %jit3A_232 : i32 to vector<16xi32>
          %select_n3A_234 = arith.select %gt3A_230, %broadcast_in_dim3A_233, %select_n3A_224 : vector<16xi1>, vector<16xi32>
          %get3A_235 = arith.constant 5 : i32
          %get3A_236 = arith.index_cast %get3A_235 : i32 to index
          %get3A_237 = arith.index_cast %scan3A_181 : i32 to index
          %get3A_238 = arith.index_cast %mul3A_189 : i32 to index
          %get3A_239 = tpu.vector_load %arg5[%get3A_236, %get3A_237, %get3A_238] {strides = array<i32>} : memref<8x24x192xf32, #tpu.memory_space<vmem>>, vector<16xf32>,
          %gt3A_240 = arith.cmpf ogt, %get3A_239, %select_n3A_231 : vector<16xf32>
          %select_n3A_241 = arith.select %gt3A_240, %get3A_239, %select_n3A_231 : vector<16xi1>, vector<16xf32>
          %jit3A_242 = arith.constant 5 : i32
          %broadcast_in_dim3A_243 = vector.broadcast %jit3A_242 : i32 to vector<16xi32>
          %select_n3A_244 = arith.select %gt3A_240, %broadcast_in_dim3A_243, %select_n3A_234 : vector<16xi1>, vector<16xi32>
          %get3A_245 = arith.constant 6 : i32
          %get3A_246 = arith.index_cast %get3A_245 : i32 to index
          %get3A_247 = arith.index_cast %scan3A_181 : i32 to index
          %get3A_248 = arith.index_cast %mul3A_189 : i32 to index
          %get3A_249 = tpu.vector_load %arg5[%get3A_246, %get3A_247, %get3A_248] {strides = array<i32>} : memref<8x24x192xf32, #tpu.memory_space<vmem>>, vector<16xf32>,
          %gt3A_250 = arith.cmpf ogt, %get3A_249, %select_n3A_241 : vector<16xf32>
          %select_n3A_251 = arith.select %gt3A_250, %get3A_249, %select_n3A_241 : vector<16xi1>, vector<16xf32>
          %jit3A_252 = arith.constant 6 : i32
          %broadcast_in_dim3A_253 = vector.broadcast %jit3A_252 : i32 to vector<16xi32>
          %select_n3A_254 = arith.select %gt3A_250, %broadcast_in_dim3A_253, %select_n3A_244 : vector<16xi1>, vector<16xi32>
          %get3A_255 = arith.constant 7 : i32
          %get3A_256 = arith.index_cast %get3A_255 : i32 to index
          %get3A_257 = arith.index_cast %scan3A_181 : i32 to index
          %get3A_258 = arith.index_cast %mul3A_189 : i32 to index
          %get3A_259 = tpu.vector_load %arg5[%get3A_256, %get3A_257, %get3A_258] {strides = array<i32>} : memref<8x24x192xf32, #tpu.memory_space<vmem>>, vector<16xf32>,
          %gt3A_260 = arith.cmpf ogt, %get3A_259, %select_n3A_251 : vector<16xf32>
          %select_n3A_261 = arith.select %gt3A_260, %get3A_259, %select_n3A_251 : vector<16xi1>, vector<16xf32>
          %jit3A_262 = arith.constant 7 : i32
          %broadcast_in_dim3A_263 = vector.broadcast %jit3A_262 : i32 to vector<16xi32>
          %select_n3A_264 = arith.select %gt3A_260, %broadcast_in_dim3A_263, %select_n3A_254 : vector<16xi1>, vector<16xi32>
          %get3A_265 = arith.index_cast %scan3A_181 : i32 to index
          %get3A_266 = arith.index_cast %mul3A_189 : i32 to index
          %get3A_267 = tpu.vector_load %arg6[%get3A_265, %get3A_266] {strides = array<i32>} : memref<24x192xi32, #tpu.memory_space<vmem>>, vector<16xi32>,
          %eq3A_268 = arith.cmpi eq, %select_n3A_264, %get3A_267 : vector<16xi32>
          tpu.vector_store_idx %arg7[%get3A_267], %broadcast_in_dim3A_33 masked %eq3A_268 {add = true} : memref<16xf32, #tpu.memory_space<vmem>>[vector<16xi32>], vector<16xf32>, vector<16xi1>
          tpu.vector_store_idx %arg8[%select_n3A_264], %broadcast_in_dim3A_33 {add = true} : memref<16xf32, #tpu.memory_space<vmem>>[vector<16xi32>], vector<16xf32>,
          tpu.vector_store_idx %arg9[%get3A_267], %broadcast_in_dim3A_33 {add = true} : memref<16xf32, #tpu.memory_space<vmem>>[vector<16xi32>], vector<16xf32>,
        }
        %scan3A_186 = arith.constant 12 : i32
      }
      %scan3A_180 = arith.constant 24 : i32
    }
    %scan3A_43 = arith.constant 6 : i32
    %mul3A_44 = arith.constant 3 : i32
    %mul3A_45 = arith.muli %add3A, %mul3A_44 : i32
    %add3A_46 = arith.constant 0 : i32
    %add3A_47 = arith.addi %mul3A_45, %add3A_46 : i32
    %mul3A_48 = arith.constant 16 : i32
    %mul3A_49 = arith.muli %add3A_47, %mul3A_48 : i32
    "tpu.region"() ({
      %run_scoped3A = tpu.sem_alloc : memref<!tpu.dma_semaphore, #tpu.memory_space<semaphore_mem>>
      %dma_start3A = tpu.memref_slice %arg4[%mul3A_49] : memref<1536xf32, #tpu.memory_space<hbm>> -> memref<16xf32, #tpu.memory_space<hbm>>
      %dma_start3A_62 = tpu.memref_slice %arg4[%mul3A_49] : memref<1536xf32, #tpu.memory_space<hbm>> -> memref<16xf32, #tpu.memory_space<hbm>>
      tpu.enqueue_dma source(%arg7 : memref<16xf32, #tpu.memory_space<vmem>>) target(%dma_start3A_62 : memref<16xf32, #tpu.memory_space<hbm>>) target_semaphore(%run_scoped3A : memref<!tpu.dma_semaphore, #tpu.memory_space<semaphore_mem>>)
      %dma_wait3A = tpu.memref_slice %arg4[%mul3A_49] : memref<1536xf32, #tpu.memory_space<hbm>> -> memref<16xf32, #tpu.memory_space<hbm>>
      %dma_wait3A_63 = tpu.memref_slice %arg4[%mul3A_49] : memref<1536xf32, #tpu.memory_space<hbm>> -> memref<16xf32, #tpu.memory_space<hbm>>
      tpu.wait_dma2 semaphore(%run_scoped3A : memref<!tpu.dma_semaphore, #tpu.memory_space<semaphore_mem>>) src(%arg7 : memref<16xf32, #tpu.memory_space<vmem>>) dst(%dma_wait3A_63 : memref<16xf32, #tpu.memory_space<hbm>>)
      tpu.yield
    }) : () -> ()
    %mul3A_50 = arith.constant 3 : i32
    %mul3A_51 = arith.muli %add3A, %mul3A_50 : i32
    %add3A_52 = arith.constant 1 : i32
    %add3A_53 = arith.addi %mul3A_51, %add3A_52 : i32
    %mul3A_54 = arith.constant 16 : i32
    %mul3A_55 = arith.muli %add3A_53, %mul3A_54 : i32
    "tpu.region"() ({
      %run_scoped3A = tpu.sem_alloc : memref<!tpu.dma_semaphore, #tpu.memory_space<semaphore_mem>>
      %dma_start3A = tpu.memref_slice %arg4[%mul3A_55] : memref<1536xf32, #tpu.memory_space<hbm>> -> memref<16xf32, #tpu.memory_space<hbm>>
      %dma_start3A_62 = tpu.memref_slice %arg4[%mul3A_55] : memref<1536xf32, #tpu.memory_space<hbm>> -> memref<16xf32, #tpu.memory_space<hbm>>
      tpu.enqueue_dma source(%arg8 : memref<16xf32, #tpu.memory_space<vmem>>) target(%dma_start3A_62 : memref<16xf32, #tpu.memory_space<hbm>>) target_semaphore(%run_scoped3A : memref<!tpu.dma_semaphore, #tpu.memory_space<semaphore_mem>>)
      %dma_wait3A = tpu.memref_slice %arg4[%mul3A_55] : memref<1536xf32, #tpu.memory_space<hbm>> -> memref<16xf32, #tpu.memory_space<hbm>>
      %dma_wait3A_63 = tpu.memref_slice %arg4[%mul3A_55] : memref<1536xf32, #tpu.memory_space<hbm>> -> memref<16xf32, #tpu.memory_space<hbm>>
      tpu.wait_dma2 semaphore(%run_scoped3A : memref<!tpu.dma_semaphore, #tpu.memory_space<semaphore_mem>>) src(%arg8 : memref<16xf32, #tpu.memory_space<vmem>>) dst(%dma_wait3A_63 : memref<16xf32, #tpu.memory_space<hbm>>)
      tpu.yield
    }) : () -> ()
    %mul3A_56 = arith.constant 3 : i32
    %mul3A_57 = arith.muli %add3A, %mul3A_56 : i32
    %add3A_58 = arith.constant 2 : i32
    %add3A_59 = arith.addi %mul3A_57, %add3A_58 : i32
    %mul3A_60 = arith.constant 16 : i32
    %mul3A_61 = arith.muli %add3A_59, %mul3A_60 : i32
    "tpu.region"() ({
      %run_scoped3A = tpu.sem_alloc : memref<!tpu.dma_semaphore, #tpu.memory_space<semaphore_mem>>
      %dma_start3A = tpu.memref_slice %arg4[%mul3A_61] : memref<1536xf32, #tpu.memory_space<hbm>> -> memref<16xf32, #tpu.memory_space<hbm>>
      %dma_start3A_62 = tpu.memref_slice %arg4[%mul3A_61] : memref<1536xf32, #tpu.memory_space<hbm>> -> memref<16xf32, #tpu.memory_space<hbm>>
      tpu.enqueue_dma source(%arg9 : memref<16xf32, #tpu.memory_space<vmem>>) target(%dma_start3A_62 : memref<16xf32, #tpu.memory_space<hbm>>) target_semaphore(%run_scoped3A : memref<!tpu.dma_semaphore, #tpu.memory_space<semaphore_mem>>)
      %dma_wait3A = tpu.memref_slice %arg4[%mul3A_61] : memref<1536xf32, #tpu.memory_space<hbm>> -> memref<16xf32, #tpu.memory_space<hbm>>
      %dma_wait3A_63 = tpu.memref_slice %arg4[%mul3A_61] : memref<1536xf32, #tpu.memory_space<hbm>> -> memref<16xf32, #tpu.memory_space<hbm>>
      tpu.wait_dma2 semaphore(%run_scoped3A : memref<!tpu.dma_semaphore, #tpu.memory_space<semaphore_mem>>) src(%arg9 : memref<16xf32, #tpu.memory_space<vmem>>) dst(%dma_wait3A_63 : memref<16xf32, #tpu.memory_space<hbm>>)
      tpu.yield
    }) : () -> ()
    return
  }
}

module attributes {stable_mosaic.version = 14 : i64} {
  func.func @_tc_body(%arg0: i32, %arg1: i32, %arg2: memref<1x8x2x192x192xf32, #tpu.memory_space<vmem>>, %arg3: memref<1x2x192x192xi32, #tpu.memory_space<vmem>>, %arg4: memref<1x24x192xf32, #tpu.memory_space<vmem>>) attributes {dimension_semantics = [#tpu.dimension_semantics<parallel>, #tpu.dimension_semantics<arbitrary>], iteration_bounds = array<i64: 2, 26>, scalar_prefetch = 0 : i64, scratch_operands = 0 : i64, tpu.core_type = #tpu.core_type<tc>, window_params = [{transform_indices = @transform_0, window_bounds = array<i64: 1, 8, 2, 192, 192>}, {transform_indices = @transform_1, window_bounds = array<i64: 1, 2, 192, 192>}, {transform_indices = @transform_2, window_bounds = array<i64: 1, 24, 192>}]} {
    %get3A = arith.constant 0 : index
    %get3A_0 = arith.constant 0 : index
    %get3A_1 = arith.constant 0 : index
    %get3A_2 = arith.constant 0 : index
    %get3A_3 = arith.constant 0 : index
    %get3A_4 = vector.load %arg2[%get3A, %get3A_0, %get3A_1, %get3A_2, %get3A_3] : memref<1x8x2x192x192xf32, #tpu.memory_space<vmem>>, vector<1x8x2x192x192xf32>
    %get3A_5 = vector.shape_cast %get3A_4 : vector<1x8x2x192x192xf32> to vector<8x2x192x192xf32>
    %get3A_6 = arith.constant 0 : index
    %get3A_7 = arith.constant 0 : index
    %get3A_8 = arith.constant 0 : index
    %get3A_9 = arith.constant 0 : index
    %get3A_10 = vector.load %arg3[%get3A_6, %get3A_7, %get3A_8, %get3A_9] : memref<1x2x192x192xi32, #tpu.memory_space<vmem>>, vector<1x2x192x192xi32>
    %get3A_11 = vector.shape_cast %get3A_10 : vector<1x2x192x192xi32> to vector<2x192x192xi32>
    %slice3A = vector.extract_strided_slice %get3A_5 {offsets = [0, 0, 0, 0], sizes = [1, 2, 192, 192], strides = [1, 1, 1, 1]} : vector<8x2x192x192xf32> to vector<1x2x192x192xf32>
    %squeeze3A = vector.shape_cast %slice3A : vector<1x2x192x192xf32> to vector<2x192x192xf32>
    %broadcast_in_dim3A = arith.constant 0 : i32
    %broadcast_in_dim3A_12 = vector.broadcast %broadcast_in_dim3A : i32 to vector<2x192x192xi32>
    %slice3A_13 = vector.extract_strided_slice %get3A_5 {offsets = [1, 0, 0, 0], sizes = [1, 2, 192, 192], strides = [1, 1, 1, 1]} : vector<8x2x192x192xf32> to vector<1x2x192x192xf32>
    %squeeze3A_14 = vector.shape_cast %slice3A_13 : vector<1x2x192x192xf32> to vector<2x192x192xf32>
    %gt3A = arith.cmpf ogt, %squeeze3A_14, %squeeze3A : vector<2x192x192xf32>
    %slice3A_15 = vector.extract_strided_slice %get3A_5 {offsets = [1, 0, 0, 0], sizes = [1, 2, 192, 192], strides = [1, 1, 1, 1]} : vector<8x2x192x192xf32> to vector<1x2x192x192xf32>
    %squeeze3A_16 = vector.shape_cast %slice3A_15 : vector<1x2x192x192xf32> to vector<2x192x192xf32>
    %select_n3A = arith.select %gt3A, %squeeze3A_16, %squeeze3A : vector<2x192x192xi1>, vector<2x192x192xf32>
    %jit3A = arith.constant 1 : i32
    %broadcast_in_dim3A_17 = vector.broadcast %jit3A : i32 to vector<2x192x192xi32>
    %select_n3A_18 = arith.select %gt3A, %broadcast_in_dim3A_17, %broadcast_in_dim3A_12 : vector<2x192x192xi1>, vector<2x192x192xi32>
    %slice3A_19 = vector.extract_strided_slice %get3A_5 {offsets = [2, 0, 0, 0], sizes = [1, 2, 192, 192], strides = [1, 1, 1, 1]} : vector<8x2x192x192xf32> to vector<1x2x192x192xf32>
    %squeeze3A_20 = vector.shape_cast %slice3A_19 : vector<1x2x192x192xf32> to vector<2x192x192xf32>
    %gt3A_21 = arith.cmpf ogt, %squeeze3A_20, %select_n3A : vector<2x192x192xf32>
    %slice3A_22 = vector.extract_strided_slice %get3A_5 {offsets = [2, 0, 0, 0], sizes = [1, 2, 192, 192], strides = [1, 1, 1, 1]} : vector<8x2x192x192xf32> to vector<1x2x192x192xf32>
    %squeeze3A_23 = vector.shape_cast %slice3A_22 : vector<1x2x192x192xf32> to vector<2x192x192xf32>
    %select_n3A_24 = arith.select %gt3A_21, %squeeze3A_23, %select_n3A : vector<2x192x192xi1>, vector<2x192x192xf32>
    %jit3A_25 = arith.constant 2 : i32
    %broadcast_in_dim3A_26 = vector.broadcast %jit3A_25 : i32 to vector<2x192x192xi32>
    %select_n3A_27 = arith.select %gt3A_21, %broadcast_in_dim3A_26, %select_n3A_18 : vector<2x192x192xi1>, vector<2x192x192xi32>
    %slice3A_28 = vector.extract_strided_slice %get3A_5 {offsets = [3, 0, 0, 0], sizes = [1, 2, 192, 192], strides = [1, 1, 1, 1]} : vector<8x2x192x192xf32> to vector<1x2x192x192xf32>
    %squeeze3A_29 = vector.shape_cast %slice3A_28 : vector<1x2x192x192xf32> to vector<2x192x192xf32>
    %gt3A_30 = arith.cmpf ogt, %squeeze3A_29, %select_n3A_24 : vector<2x192x192xf32>
    %slice3A_31 = vector.extract_strided_slice %get3A_5 {offsets = [3, 0, 0, 0], sizes = [1, 2, 192, 192], strides = [1, 1, 1, 1]} : vector<8x2x192x192xf32> to vector<1x2x192x192xf32>
    %squeeze3A_32 = vector.shape_cast %slice3A_31 : vector<1x2x192x192xf32> to vector<2x192x192xf32>
    %select_n3A_33 = arith.select %gt3A_30, %squeeze3A_32, %select_n3A_24 : vector<2x192x192xi1>, vector<2x192x192xf32>
    %jit3A_34 = arith.constant 3 : i32
    %broadcast_in_dim3A_35 = vector.broadcast %jit3A_34 : i32 to vector<2x192x192xi32>
    %select_n3A_36 = arith.select %gt3A_30, %broadcast_in_dim3A_35, %select_n3A_27 : vector<2x192x192xi1>, vector<2x192x192xi32>
    %slice3A_37 = vector.extract_strided_slice %get3A_5 {offsets = [4, 0, 0, 0], sizes = [1, 2, 192, 192], strides = [1, 1, 1, 1]} : vector<8x2x192x192xf32> to vector<1x2x192x192xf32>
    %squeeze3A_38 = vector.shape_cast %slice3A_37 : vector<1x2x192x192xf32> to vector<2x192x192xf32>
    %gt3A_39 = arith.cmpf ogt, %squeeze3A_38, %select_n3A_33 : vector<2x192x192xf32>
    %slice3A_40 = vector.extract_strided_slice %get3A_5 {offsets = [4, 0, 0, 0], sizes = [1, 2, 192, 192], strides = [1, 1, 1, 1]} : vector<8x2x192x192xf32> to vector<1x2x192x192xf32>
    %squeeze3A_41 = vector.shape_cast %slice3A_40 : vector<1x2x192x192xf32> to vector<2x192x192xf32>
    %select_n3A_42 = arith.select %gt3A_39, %squeeze3A_41, %select_n3A_33 : vector<2x192x192xi1>, vector<2x192x192xf32>
    %jit3A_43 = arith.constant 4 : i32
    %broadcast_in_dim3A_44 = vector.broadcast %jit3A_43 : i32 to vector<2x192x192xi32>
    %select_n3A_45 = arith.select %gt3A_39, %broadcast_in_dim3A_44, %select_n3A_36 : vector<2x192x192xi1>, vector<2x192x192xi32>
    %slice3A_46 = vector.extract_strided_slice %get3A_5 {offsets = [5, 0, 0, 0], sizes = [1, 2, 192, 192], strides = [1, 1, 1, 1]} : vector<8x2x192x192xf32> to vector<1x2x192x192xf32>
    %squeeze3A_47 = vector.shape_cast %slice3A_46 : vector<1x2x192x192xf32> to vector<2x192x192xf32>
    %gt3A_48 = arith.cmpf ogt, %squeeze3A_47, %select_n3A_42 : vector<2x192x192xf32>
    %slice3A_49 = vector.extract_strided_slice %get3A_5 {offsets = [5, 0, 0, 0], sizes = [1, 2, 192, 192], strides = [1, 1, 1, 1]} : vector<8x2x192x192xf32> to vector<1x2x192x192xf32>
    %squeeze3A_50 = vector.shape_cast %slice3A_49 : vector<1x2x192x192xf32> to vector<2x192x192xf32>
    %select_n3A_51 = arith.select %gt3A_48, %squeeze3A_50, %select_n3A_42 : vector<2x192x192xi1>, vector<2x192x192xf32>
    %jit3A_52 = arith.constant 5 : i32
    %broadcast_in_dim3A_53 = vector.broadcast %jit3A_52 : i32 to vector<2x192x192xi32>
    %select_n3A_54 = arith.select %gt3A_48, %broadcast_in_dim3A_53, %select_n3A_45 : vector<2x192x192xi1>, vector<2x192x192xi32>
    %slice3A_55 = vector.extract_strided_slice %get3A_5 {offsets = [6, 0, 0, 0], sizes = [1, 2, 192, 192], strides = [1, 1, 1, 1]} : vector<8x2x192x192xf32> to vector<1x2x192x192xf32>
    %squeeze3A_56 = vector.shape_cast %slice3A_55 : vector<1x2x192x192xf32> to vector<2x192x192xf32>
    %gt3A_57 = arith.cmpf ogt, %squeeze3A_56, %select_n3A_51 : vector<2x192x192xf32>
    %slice3A_58 = vector.extract_strided_slice %get3A_5 {offsets = [6, 0, 0, 0], sizes = [1, 2, 192, 192], strides = [1, 1, 1, 1]} : vector<8x2x192x192xf32> to vector<1x2x192x192xf32>
    %squeeze3A_59 = vector.shape_cast %slice3A_58 : vector<1x2x192x192xf32> to vector<2x192x192xf32>
    %select_n3A_60 = arith.select %gt3A_57, %squeeze3A_59, %select_n3A_51 : vector<2x192x192xi1>, vector<2x192x192xf32>
    %jit3A_61 = arith.constant 6 : i32
    %broadcast_in_dim3A_62 = vector.broadcast %jit3A_61 : i32 to vector<2x192x192xi32>
    %select_n3A_63 = arith.select %gt3A_57, %broadcast_in_dim3A_62, %select_n3A_54 : vector<2x192x192xi1>, vector<2x192x192xi32>
    %slice3A_64 = vector.extract_strided_slice %get3A_5 {offsets = [7, 0, 0, 0], sizes = [1, 2, 192, 192], strides = [1, 1, 1, 1]} : vector<8x2x192x192xf32> to vector<1x2x192x192xf32>
    %squeeze3A_65 = vector.shape_cast %slice3A_64 : vector<1x2x192x192xf32> to vector<2x192x192xf32>
    %gt3A_66 = arith.cmpf ogt, %squeeze3A_65, %select_n3A_60 : vector<2x192x192xf32>
    %jit3A_67 = arith.constant 7 : i32
    %broadcast_in_dim3A_68 = vector.broadcast %jit3A_67 : i32 to vector<2x192x192xi32>
    %select_n3A_69 = arith.select %gt3A_66, %broadcast_in_dim3A_68, %select_n3A_63 : vector<2x192x192xi1>, vector<2x192x192xi32>
    %broadcast_in_dim3A_70 = arith.constant 1.000000e+00 : f32
    %broadcast_in_dim3A_71 = vector.broadcast %broadcast_in_dim3A_70 : f32 to vector<2x192x192xf32>
    %broadcast_in_dim3A_72 = arith.constant 0.000000e+00 : f32
    %broadcast_in_dim3A_73 = vector.broadcast %broadcast_in_dim3A_72 : f32 to vector<2x192x192xf32>
    %eq3A = arith.constant 0 : i32
    %eq3A_74 = vector.broadcast %eq3A : i32 to vector<2x192x192xi32>
    %eq3A_75 = arith.cmpi eq, %select_n3A_69, %eq3A_74 : vector<2x192x192xi32>
    %eq3A_76 = arith.constant 0 : i32
    %eq3A_77 = vector.broadcast %eq3A_76 : i32 to vector<2x192x192xi32>
    %eq3A_78 = arith.cmpi eq, %get3A_11, %eq3A_77 : vector<2x192x192xi32>
    %and3A = arith.andi %eq3A_75, %eq3A_78 : vector<2x192x192xi1>
    %select_n3A_79 = arith.select %and3A, %broadcast_in_dim3A_71, %broadcast_in_dim3A_73 : vector<2x192x192xi1>, vector<2x192x192xf32>
    %reduce_sum3A = arith.constant dense<0.000000e+00> : vector<192xf32>
    %reduce_sum3A_80 = vector.multi_reduction <add>, %select_n3A_79, %reduce_sum3A [0, 1] : vector<2x192x192xf32> to vector<192xf32>
    %broadcast_in_dim3A_81 = vector.shape_cast %reduce_sum3A_80 : vector<192xf32> to vector<1x1x192xf32>
    %reshape3A = vector.shape_cast %broadcast_in_dim3A_81 : vector<1x1x192xf32> to vector<1x192xf32>
    %select_n3A_82 = arith.select %eq3A_75, %broadcast_in_dim3A_71, %broadcast_in_dim3A_73 : vector<2x192x192xi1>, vector<2x192x192xf32>
    %reduce_sum3A_83 = arith.constant dense<0.000000e+00> : vector<192xf32>
    %reduce_sum3A_84 = vector.multi_reduction <add>, %select_n3A_82, %reduce_sum3A_83 [0, 1] : vector<2x192x192xf32> to vector<192xf32>
    %broadcast_in_dim3A_85 = vector.shape_cast %reduce_sum3A_84 : vector<192xf32> to vector<1x1x192xf32>
    %reshape3A_86 = vector.shape_cast %broadcast_in_dim3A_85 : vector<1x1x192xf32> to vector<1x192xf32>
    %select_n3A_87 = arith.select %eq3A_78, %broadcast_in_dim3A_71, %broadcast_in_dim3A_73 : vector<2x192x192xi1>, vector<2x192x192xf32>
    %reduce_sum3A_88 = arith.constant dense<0.000000e+00> : vector<192xf32>
    %reduce_sum3A_89 = vector.multi_reduction <add>, %select_n3A_87, %reduce_sum3A_88 [0, 1] : vector<2x192x192xf32> to vector<192xf32>
    %broadcast_in_dim3A_90 = vector.shape_cast %reduce_sum3A_89 : vector<192xf32> to vector<1x1x192xf32>
    %reshape3A_91 = vector.shape_cast %broadcast_in_dim3A_90 : vector<1x1x192xf32> to vector<1x192xf32>
    %eq3A_92 = arith.constant 1 : i32
    %eq3A_93 = vector.broadcast %eq3A_92 : i32 to vector<2x192x192xi32>
    %eq3A_94 = arith.cmpi eq, %select_n3A_69, %eq3A_93 : vector<2x192x192xi32>
    %eq3A_95 = arith.constant 1 : i32
    %eq3A_96 = vector.broadcast %eq3A_95 : i32 to vector<2x192x192xi32>
    %eq3A_97 = arith.cmpi eq, %get3A_11, %eq3A_96 : vector<2x192x192xi32>
    %and3A_98 = arith.andi %eq3A_94, %eq3A_97 : vector<2x192x192xi1>
    %select_n3A_99 = arith.select %and3A_98, %broadcast_in_dim3A_71, %broadcast_in_dim3A_73 : vector<2x192x192xi1>, vector<2x192x192xf32>
    %reduce_sum3A_100 = arith.constant dense<0.000000e+00> : vector<192xf32>
    %reduce_sum3A_101 = vector.multi_reduction <add>, %select_n3A_99, %reduce_sum3A_100 [0, 1] : vector<2x192x192xf32> to vector<192xf32>
    %broadcast_in_dim3A_102 = vector.shape_cast %reduce_sum3A_101 : vector<192xf32> to vector<1x1x192xf32>
    %reshape3A_103 = vector.shape_cast %broadcast_in_dim3A_102 : vector<1x1x192xf32> to vector<1x192xf32>
    %select_n3A_104 = arith.select %eq3A_94, %broadcast_in_dim3A_71, %broadcast_in_dim3A_73 : vector<2x192x192xi1>, vector<2x192x192xf32>
    %reduce_sum3A_105 = arith.constant dense<0.000000e+00> : vector<192xf32>
    %reduce_sum3A_106 = vector.multi_reduction <add>, %select_n3A_104, %reduce_sum3A_105 [0, 1] : vector<2x192x192xf32> to vector<192xf32>
    %broadcast_in_dim3A_107 = vector.shape_cast %reduce_sum3A_106 : vector<192xf32> to vector<1x1x192xf32>
    %reshape3A_108 = vector.shape_cast %broadcast_in_dim3A_107 : vector<1x1x192xf32> to vector<1x192xf32>
    %select_n3A_109 = arith.select %eq3A_97, %broadcast_in_dim3A_71, %broadcast_in_dim3A_73 : vector<2x192x192xi1>, vector<2x192x192xf32>
    %reduce_sum3A_110 = arith.constant dense<0.000000e+00> : vector<192xf32>
    %reduce_sum3A_111 = vector.multi_reduction <add>, %select_n3A_109, %reduce_sum3A_110 [0, 1] : vector<2x192x192xf32> to vector<192xf32>
    %broadcast_in_dim3A_112 = vector.shape_cast %reduce_sum3A_111 : vector<192xf32> to vector<1x1x192xf32>
    %reshape3A_113 = vector.shape_cast %broadcast_in_dim3A_112 : vector<1x1x192xf32> to vector<1x192xf32>
    %eq3A_114 = arith.constant 2 : i32
    %eq3A_115 = vector.broadcast %eq3A_114 : i32 to vector<2x192x192xi32>
    %eq3A_116 = arith.cmpi eq, %select_n3A_69, %eq3A_115 : vector<2x192x192xi32>
    %eq3A_117 = arith.constant 2 : i32
    %eq3A_118 = vector.broadcast %eq3A_117 : i32 to vector<2x192x192xi32>
    %eq3A_119 = arith.cmpi eq, %get3A_11, %eq3A_118 : vector<2x192x192xi32>
    %and3A_120 = arith.andi %eq3A_116, %eq3A_119 : vector<2x192x192xi1>
    %select_n3A_121 = arith.select %and3A_120, %broadcast_in_dim3A_71, %broadcast_in_dim3A_73 : vector<2x192x192xi1>, vector<2x192x192xf32>
    %reduce_sum3A_122 = arith.constant dense<0.000000e+00> : vector<192xf32>
    %reduce_sum3A_123 = vector.multi_reduction <add>, %select_n3A_121, %reduce_sum3A_122 [0, 1] : vector<2x192x192xf32> to vector<192xf32>
    %broadcast_in_dim3A_124 = vector.shape_cast %reduce_sum3A_123 : vector<192xf32> to vector<1x1x192xf32>
    %reshape3A_125 = vector.shape_cast %broadcast_in_dim3A_124 : vector<1x1x192xf32> to vector<1x192xf32>
    %select_n3A_126 = arith.select %eq3A_116, %broadcast_in_dim3A_71, %broadcast_in_dim3A_73 : vector<2x192x192xi1>, vector<2x192x192xf32>
    %reduce_sum3A_127 = arith.constant dense<0.000000e+00> : vector<192xf32>
    %reduce_sum3A_128 = vector.multi_reduction <add>, %select_n3A_126, %reduce_sum3A_127 [0, 1] : vector<2x192x192xf32> to vector<192xf32>
    %broadcast_in_dim3A_129 = vector.shape_cast %reduce_sum3A_128 : vector<192xf32> to vector<1x1x192xf32>
    %reshape3A_130 = vector.shape_cast %broadcast_in_dim3A_129 : vector<1x1x192xf32> to vector<1x192xf32>
    %select_n3A_131 = arith.select %eq3A_119, %broadcast_in_dim3A_71, %broadcast_in_dim3A_73 : vector<2x192x192xi1>, vector<2x192x192xf32>
    %reduce_sum3A_132 = arith.constant dense<0.000000e+00> : vector<192xf32>
    %reduce_sum3A_133 = vector.multi_reduction <add>, %select_n3A_131, %reduce_sum3A_132 [0, 1] : vector<2x192x192xf32> to vector<192xf32>
    %broadcast_in_dim3A_134 = vector.shape_cast %reduce_sum3A_133 : vector<192xf32> to vector<1x1x192xf32>
    %reshape3A_135 = vector.shape_cast %broadcast_in_dim3A_134 : vector<1x1x192xf32> to vector<1x192xf32>
    %eq3A_136 = arith.constant 3 : i32
    %eq3A_137 = vector.broadcast %eq3A_136 : i32 to vector<2x192x192xi32>
    %eq3A_138 = arith.cmpi eq, %select_n3A_69, %eq3A_137 : vector<2x192x192xi32>
    %eq3A_139 = arith.constant 3 : i32
    %eq3A_140 = vector.broadcast %eq3A_139 : i32 to vector<2x192x192xi32>
    %eq3A_141 = arith.cmpi eq, %get3A_11, %eq3A_140 : vector<2x192x192xi32>
    %and3A_142 = arith.andi %eq3A_138, %eq3A_141 : vector<2x192x192xi1>
    %select_n3A_143 = arith.select %and3A_142, %broadcast_in_dim3A_71, %broadcast_in_dim3A_73 : vector<2x192x192xi1>, vector<2x192x192xf32>
    %reduce_sum3A_144 = arith.constant dense<0.000000e+00> : vector<192xf32>
    %reduce_sum3A_145 = vector.multi_reduction <add>, %select_n3A_143, %reduce_sum3A_144 [0, 1] : vector<2x192x192xf32> to vector<192xf32>
    %broadcast_in_dim3A_146 = vector.shape_cast %reduce_sum3A_145 : vector<192xf32> to vector<1x1x192xf32>
    %reshape3A_147 = vector.shape_cast %broadcast_in_dim3A_146 : vector<1x1x192xf32> to vector<1x192xf32>
    %select_n3A_148 = arith.select %eq3A_138, %broadcast_in_dim3A_71, %broadcast_in_dim3A_73 : vector<2x192x192xi1>, vector<2x192x192xf32>
    %reduce_sum3A_149 = arith.constant dense<0.000000e+00> : vector<192xf32>
    %reduce_sum3A_150 = vector.multi_reduction <add>, %select_n3A_148, %reduce_sum3A_149 [0, 1] : vector<2x192x192xf32> to vector<192xf32>
    %broadcast_in_dim3A_151 = vector.shape_cast %reduce_sum3A_150 : vector<192xf32> to vector<1x1x192xf32>
    %reshape3A_152 = vector.shape_cast %broadcast_in_dim3A_151 : vector<1x1x192xf32> to vector<1x192xf32>
    %select_n3A_153 = arith.select %eq3A_141, %broadcast_in_dim3A_71, %broadcast_in_dim3A_73 : vector<2x192x192xi1>, vector<2x192x192xf32>
    %reduce_sum3A_154 = arith.constant dense<0.000000e+00> : vector<192xf32>
    %reduce_sum3A_155 = vector.multi_reduction <add>, %select_n3A_153, %reduce_sum3A_154 [0, 1] : vector<2x192x192xf32> to vector<192xf32>
    %broadcast_in_dim3A_156 = vector.shape_cast %reduce_sum3A_155 : vector<192xf32> to vector<1x1x192xf32>
    %reshape3A_157 = vector.shape_cast %broadcast_in_dim3A_156 : vector<1x1x192xf32> to vector<1x192xf32>
    %eq3A_158 = arith.constant 4 : i32
    %eq3A_159 = vector.broadcast %eq3A_158 : i32 to vector<2x192x192xi32>
    %eq3A_160 = arith.cmpi eq, %select_n3A_69, %eq3A_159 : vector<2x192x192xi32>
    %eq3A_161 = arith.constant 4 : i32
    %eq3A_162 = vector.broadcast %eq3A_161 : i32 to vector<2x192x192xi32>
    %eq3A_163 = arith.cmpi eq, %get3A_11, %eq3A_162 : vector<2x192x192xi32>
    %and3A_164 = arith.andi %eq3A_160, %eq3A_163 : vector<2x192x192xi1>
    %select_n3A_165 = arith.select %and3A_164, %broadcast_in_dim3A_71, %broadcast_in_dim3A_73 : vector<2x192x192xi1>, vector<2x192x192xf32>
    %reduce_sum3A_166 = arith.constant dense<0.000000e+00> : vector<192xf32>
    %reduce_sum3A_167 = vector.multi_reduction <add>, %select_n3A_165, %reduce_sum3A_166 [0, 1] : vector<2x192x192xf32> to vector<192xf32>
    %broadcast_in_dim3A_168 = vector.shape_cast %reduce_sum3A_167 : vector<192xf32> to vector<1x1x192xf32>
    %reshape3A_169 = vector.shape_cast %broadcast_in_dim3A_168 : vector<1x1x192xf32> to vector<1x192xf32>
    %select_n3A_170 = arith.select %eq3A_160, %broadcast_in_dim3A_71, %broadcast_in_dim3A_73 : vector<2x192x192xi1>, vector<2x192x192xf32>
    %reduce_sum3A_171 = arith.constant dense<0.000000e+00> : vector<192xf32>
    %reduce_sum3A_172 = vector.multi_reduction <add>, %select_n3A_170, %reduce_sum3A_171 [0, 1] : vector<2x192x192xf32> to vector<192xf32>
    %broadcast_in_dim3A_173 = vector.shape_cast %reduce_sum3A_172 : vector<192xf32> to vector<1x1x192xf32>
    %reshape3A_174 = vector.shape_cast %broadcast_in_dim3A_173 : vector<1x1x192xf32> to vector<1x192xf32>
    %select_n3A_175 = arith.select %eq3A_163, %broadcast_in_dim3A_71, %broadcast_in_dim3A_73 : vector<2x192x192xi1>, vector<2x192x192xf32>
    %reduce_sum3A_176 = arith.constant dense<0.000000e+00> : vector<192xf32>
    %reduce_sum3A_177 = vector.multi_reduction <add>, %select_n3A_175, %reduce_sum3A_176 [0, 1] : vector<2x192x192xf32> to vector<192xf32>
    %broadcast_in_dim3A_178 = vector.shape_cast %reduce_sum3A_177 : vector<192xf32> to vector<1x1x192xf32>
    %reshape3A_179 = vector.shape_cast %broadcast_in_dim3A_178 : vector<1x1x192xf32> to vector<1x192xf32>
    %eq3A_180 = arith.constant 5 : i32
    %eq3A_181 = vector.broadcast %eq3A_180 : i32 to vector<2x192x192xi32>
    %eq3A_182 = arith.cmpi eq, %select_n3A_69, %eq3A_181 : vector<2x192x192xi32>
    %eq3A_183 = arith.constant 5 : i32
    %eq3A_184 = vector.broadcast %eq3A_183 : i32 to vector<2x192x192xi32>
    %eq3A_185 = arith.cmpi eq, %get3A_11, %eq3A_184 : vector<2x192x192xi32>
    %and3A_186 = arith.andi %eq3A_182, %eq3A_185 : vector<2x192x192xi1>
    %select_n3A_187 = arith.select %and3A_186, %broadcast_in_dim3A_71, %broadcast_in_dim3A_73 : vector<2x192x192xi1>, vector<2x192x192xf32>
    %reduce_sum3A_188 = arith.constant dense<0.000000e+00> : vector<192xf32>
    %reduce_sum3A_189 = vector.multi_reduction <add>, %select_n3A_187, %reduce_sum3A_188 [0, 1] : vector<2x192x192xf32> to vector<192xf32>
    %broadcast_in_dim3A_190 = vector.shape_cast %reduce_sum3A_189 : vector<192xf32> to vector<1x1x192xf32>
    %reshape3A_191 = vector.shape_cast %broadcast_in_dim3A_190 : vector<1x1x192xf32> to vector<1x192xf32>
    %select_n3A_192 = arith.select %eq3A_182, %broadcast_in_dim3A_71, %broadcast_in_dim3A_73 : vector<2x192x192xi1>, vector<2x192x192xf32>
    %reduce_sum3A_193 = arith.constant dense<0.000000e+00> : vector<192xf32>
    %reduce_sum3A_194 = vector.multi_reduction <add>, %select_n3A_192, %reduce_sum3A_193 [0, 1] : vector<2x192x192xf32> to vector<192xf32>
    %broadcast_in_dim3A_195 = vector.shape_cast %reduce_sum3A_194 : vector<192xf32> to vector<1x1x192xf32>
    %reshape3A_196 = vector.shape_cast %broadcast_in_dim3A_195 : vector<1x1x192xf32> to vector<1x192xf32>
    %select_n3A_197 = arith.select %eq3A_185, %broadcast_in_dim3A_71, %broadcast_in_dim3A_73 : vector<2x192x192xi1>, vector<2x192x192xf32>
    %reduce_sum3A_198 = arith.constant dense<0.000000e+00> : vector<192xf32>
    %reduce_sum3A_199 = vector.multi_reduction <add>, %select_n3A_197, %reduce_sum3A_198 [0, 1] : vector<2x192x192xf32> to vector<192xf32>
    %broadcast_in_dim3A_200 = vector.shape_cast %reduce_sum3A_199 : vector<192xf32> to vector<1x1x192xf32>
    %reshape3A_201 = vector.shape_cast %broadcast_in_dim3A_200 : vector<1x1x192xf32> to vector<1x192xf32>
    %eq3A_202 = arith.constant 6 : i32
    %eq3A_203 = vector.broadcast %eq3A_202 : i32 to vector<2x192x192xi32>
    %eq3A_204 = arith.cmpi eq, %select_n3A_69, %eq3A_203 : vector<2x192x192xi32>
    %eq3A_205 = arith.constant 6 : i32
    %eq3A_206 = vector.broadcast %eq3A_205 : i32 to vector<2x192x192xi32>
    %eq3A_207 = arith.cmpi eq, %get3A_11, %eq3A_206 : vector<2x192x192xi32>
    %and3A_208 = arith.andi %eq3A_204, %eq3A_207 : vector<2x192x192xi1>
    %select_n3A_209 = arith.select %and3A_208, %broadcast_in_dim3A_71, %broadcast_in_dim3A_73 : vector<2x192x192xi1>, vector<2x192x192xf32>
    %reduce_sum3A_210 = arith.constant dense<0.000000e+00> : vector<192xf32>
    %reduce_sum3A_211 = vector.multi_reduction <add>, %select_n3A_209, %reduce_sum3A_210 [0, 1] : vector<2x192x192xf32> to vector<192xf32>
    %broadcast_in_dim3A_212 = vector.shape_cast %reduce_sum3A_211 : vector<192xf32> to vector<1x1x192xf32>
    %reshape3A_213 = vector.shape_cast %broadcast_in_dim3A_212 : vector<1x1x192xf32> to vector<1x192xf32>
    %select_n3A_214 = arith.select %eq3A_204, %broadcast_in_dim3A_71, %broadcast_in_dim3A_73 : vector<2x192x192xi1>, vector<2x192x192xf32>
    %reduce_sum3A_215 = arith.constant dense<0.000000e+00> : vector<192xf32>
    %reduce_sum3A_216 = vector.multi_reduction <add>, %select_n3A_214, %reduce_sum3A_215 [0, 1] : vector<2x192x192xf32> to vector<192xf32>
    %broadcast_in_dim3A_217 = vector.shape_cast %reduce_sum3A_216 : vector<192xf32> to vector<1x1x192xf32>
    %reshape3A_218 = vector.shape_cast %broadcast_in_dim3A_217 : vector<1x1x192xf32> to vector<1x192xf32>
    %select_n3A_219 = arith.select %eq3A_207, %broadcast_in_dim3A_71, %broadcast_in_dim3A_73 : vector<2x192x192xi1>, vector<2x192x192xf32>
    %reduce_sum3A_220 = arith.constant dense<0.000000e+00> : vector<192xf32>
    %reduce_sum3A_221 = vector.multi_reduction <add>, %select_n3A_219, %reduce_sum3A_220 [0, 1] : vector<2x192x192xf32> to vector<192xf32>
    %broadcast_in_dim3A_222 = vector.shape_cast %reduce_sum3A_221 : vector<192xf32> to vector<1x1x192xf32>
    %reshape3A_223 = vector.shape_cast %broadcast_in_dim3A_222 : vector<1x1x192xf32> to vector<1x192xf32>
    %eq3A_224 = arith.constant 7 : i32
    %eq3A_225 = vector.broadcast %eq3A_224 : i32 to vector<2x192x192xi32>
    %eq3A_226 = arith.cmpi eq, %select_n3A_69, %eq3A_225 : vector<2x192x192xi32>
    %eq3A_227 = arith.constant 7 : i32
    %eq3A_228 = vector.broadcast %eq3A_227 : i32 to vector<2x192x192xi32>
    %eq3A_229 = arith.cmpi eq, %get3A_11, %eq3A_228 : vector<2x192x192xi32>
    %and3A_230 = arith.andi %eq3A_226, %eq3A_229 : vector<2x192x192xi1>
    %select_n3A_231 = arith.select %and3A_230, %broadcast_in_dim3A_71, %broadcast_in_dim3A_73 : vector<2x192x192xi1>, vector<2x192x192xf32>
    %reduce_sum3A_232 = arith.constant dense<0.000000e+00> : vector<192xf32>
    %reduce_sum3A_233 = vector.multi_reduction <add>, %select_n3A_231, %reduce_sum3A_232 [0, 1] : vector<2x192x192xf32> to vector<192xf32>
    %broadcast_in_dim3A_234 = vector.shape_cast %reduce_sum3A_233 : vector<192xf32> to vector<1x1x192xf32>
    %reshape3A_235 = vector.shape_cast %broadcast_in_dim3A_234 : vector<1x1x192xf32> to vector<1x192xf32>
    %select_n3A_236 = arith.select %eq3A_226, %broadcast_in_dim3A_71, %broadcast_in_dim3A_73 : vector<2x192x192xi1>, vector<2x192x192xf32>
    %reduce_sum3A_237 = arith.constant dense<0.000000e+00> : vector<192xf32>
    %reduce_sum3A_238 = vector.multi_reduction <add>, %select_n3A_236, %reduce_sum3A_237 [0, 1] : vector<2x192x192xf32> to vector<192xf32>
    %broadcast_in_dim3A_239 = vector.shape_cast %reduce_sum3A_238 : vector<192xf32> to vector<1x1x192xf32>
    %reshape3A_240 = vector.shape_cast %broadcast_in_dim3A_239 : vector<1x1x192xf32> to vector<1x192xf32>
    %select_n3A_241 = arith.select %eq3A_229, %broadcast_in_dim3A_71, %broadcast_in_dim3A_73 : vector<2x192x192xi1>, vector<2x192x192xf32>
    %reduce_sum3A_242 = arith.constant dense<0.000000e+00> : vector<192xf32>
    %reduce_sum3A_243 = vector.multi_reduction <add>, %select_n3A_241, %reduce_sum3A_242 [0, 1] : vector<2x192x192xf32> to vector<192xf32>
    %broadcast_in_dim3A_244 = vector.shape_cast %reduce_sum3A_243 : vector<192xf32> to vector<1x1x192xf32>
    %reshape3A_245 = vector.shape_cast %broadcast_in_dim3A_244 : vector<1x1x192xf32> to vector<1x192xf32>
    %concatenate3A = tpu.concatenate %reshape3A, %reshape3A_86, %reshape3A_91, %reshape3A_103, %reshape3A_108, %reshape3A_113, %reshape3A_125, %reshape3A_130, %reshape3A_135, %reshape3A_147, %reshape3A_152, %reshape3A_157, %reshape3A_169, %reshape3A_174, %reshape3A_179, %reshape3A_191, %reshape3A_196, %reshape3A_201, %reshape3A_213, %reshape3A_218, %reshape3A_223, %reshape3A_235, %reshape3A_240, %reshape3A_245 in 0 : vector<1x192xf32>, vector<1x192xf32>, vector<1x192xf32>, vector<1x192xf32>, vector<1x192xf32>, vector<1x192xf32>, vector<1x192xf32>, vector<1x192xf32>, vector<1x192xf32>, vector<1x192xf32>, vector<1x192xf32>, vector<1x192xf32>, vector<1x192xf32>, vector<1x192xf32>, vector<1x192xf32>, vector<1x192xf32>, vector<1x192xf32>, vector<1x192xf32>, vector<1x192xf32>, vector<1x192xf32>, vector<1x192xf32>, vector<1x192xf32>, vector<1x192xf32>, vector<1x192xf32> -> vector<24x192xf32>
    %eq3A_246 = arith.constant 0 : i32
    %eq3A_247 = arith.cmpi eq, %arg1, %eq3A_246 : i32
    %convert_element_type3A = arith.extui %eq3A_247 : i1 to i32
    %cond3A = arith.constant 0 : i32
    %cond3A_248 = arith.cmpi ne, %convert_element_type3A, %cond3A : i32
    scf.if %cond3A_248 {
      %swap3A = arith.constant 0 : index
      %swap3A_254 = arith.constant 0 : index
      %swap3A_255 = arith.constant 0 : index
      %swap3A_256 = vector.load %arg4[%swap3A, %swap3A_254, %swap3A_255] : memref<1x24x192xf32, #tpu.memory_space<vmem>>, vector<1x24x192xf32>
      %swap3A_257 = vector.shape_cast %swap3A_256 : vector<1x24x192xf32> to vector<24x192xf32>
      %swap3A_258 = vector.shape_cast %concatenate3A : vector<24x192xf32> to vector<1x24x192xf32>
      tpu.vector_store %arg4[%swap3A, %swap3A_254, %swap3A_255], %swap3A_258 {strides = array<i32>} : memref<1x24x192xf32, #tpu.memory_space<vmem>>, vector<1x24x192xf32>,
    } else {
    }
    %gt3A_249 = arith.constant 0 : i32
    %gt3A_250 = arith.cmpi sgt, %arg1, %gt3A_249 : i32
    %convert_element_type3A_251 = arith.extui %gt3A_250 : i1 to i32
    %cond3A_252 = arith.constant 0 : i32
    %cond3A_253 = arith.cmpi ne, %convert_element_type3A_251, %cond3A_252 : i32
    scf.if %cond3A_253 {
      %get3A_254 = arith.constant 0 : index
      %get3A_255 = arith.constant 0 : index
      %get3A_256 = arith.constant 0 : index
      %get3A_257 = vector.load %arg4[%get3A_254, %get3A_255, %get3A_256] : memref<1x24x192xf32, #tpu.memory_space<vmem>>, vector<1x24x192xf32>
      %get3A_258 = vector.shape_cast %get3A_257 : vector<1x24x192xf32> to vector<24x192xf32>
      %add3A = arith.addf %get3A_258, %concatenate3A : vector<24x192xf32>
      %swap3A = arith.constant 0 : index
      %swap3A_259 = arith.constant 0 : index
      %swap3A_260 = arith.constant 0 : index
      %swap3A_261 = vector.load %arg4[%swap3A, %swap3A_259, %swap3A_260] : memref<1x24x192xf32, #tpu.memory_space<vmem>>, vector<1x24x192xf32>
      %swap3A_262 = vector.shape_cast %swap3A_261 : vector<1x24x192xf32> to vector<24x192xf32>
      %swap3A_263 = vector.shape_cast %add3A : vector<24x192xf32> to vector<1x24x192xf32>
      tpu.vector_store %arg4[%swap3A, %swap3A_259, %swap3A_260], %swap3A_263 {strides = array<i32>} : memref<1x24x192xf32, #tpu.memory_space<vmem>>, vector<1x24x192xf32>,
    } else {
    }
    return
  }
  func.func @transform_0(%arg0: i32, %arg1: i32) -> (i32, i32, i32, i32, i32) {
    %c0_i32 = arith.constant 0 : i32
    %c0_i32_0 = arith.constant 0 : i32
    %c0_i32_1 = arith.constant 0 : i32
    %c0_i32_2 = arith.constant 0 : i32
    return %arg0, %c0_i32, %arg1, %c0_i32_0, %c0_i32_1 : i32, i32, i32, i32, i32
  }
  func.func @transform_1(%arg0: i32, %arg1: i32) -> (i32, i32, i32, i32) {
    %c0_i32 = arith.constant 0 : i32
    %c0_i32_0 = arith.constant 0 : i32
    %c0_i32_1 = arith.constant 0 : i32
    return %arg0, %arg1, %c0_i32, %c0_i32_0 : i32, i32, i32, i32
  }
  func.func @transform_2(%arg0: i32, %arg1: i32) -> (i32, i32, i32) {
    %c0_i32 = arith.constant 0 : i32
    %c0_i32_0 = arith.constant 0 : i32
    %c0_i32_1 = arith.constant 0 : i32
    return %arg0, %c0_i32, %c0_i32_0 : i32, i32, i32
  }
}

</mosaic_0001>

<sc_bundles>
// kernel: kernel.4.cloned.1.call-start
scs
__scs_entry_jumppad:
0x0: {  	(pc) =	sbr.rel $0x88, $3  }
0x1: {  	(tag) =	ssettag $0x0;
	lr =	simm.s32 $0x1  }
0x2: {  	[smem:$0x3F9F] =	sst lr;
	_ =	strace $0xD0000000  }
0x3: {  	_ = 	snop  }
0x4: {  	_ = 	snop  }
0x5: {  	_ = 	snop  }
0x6: {  	_ = 	snop  }
0x7: {  	_ = 	snop  }
__scs_overlays_trampoline_lowered:
0x8: {  	[smem:$0x3FAE] =	sst s0  }
0x9: {  	[smem:$0x3FAF] =	sst s1  }
0xa: {  	[smem:$0x3FB0] =	sst s2  }
0xb: {  	[smem:$0x3FB1] =	sst s3  }
0xc: {  	[smem:$0x3FB2] =	sst s4  }
0xd: {  	[smem:$0x3FB3] =	sst s5  }
0xe: {  	[smem:$0x3FB4] =	sst s6  }
0xf: {  	[smem:$0x3FB5] =	sst s7  }
0x10: {  	[smem:$0x3FB6] =	sst s8  }
0x11: {  	[smem:$0x3FB7] =	sst s9;
	s0 =	simm.s32 @!p0 $0x0  }
0x12: {  	s1 =	sld [smem:$0x3F9D];
	s0 =	simm.s32 @p0 $0x1  }
0x13: {  	[smem:$0x3FB8] =	sst s0;
	s0 =	simm.s32 @!p1 $0x0  }
0x14: {  	s2 =	sld [smem:$0x3F9C];
	s0 =	simm.s32 @p1 $0x1  }
0x15: {  	[smem:$0x3FB9] =	sst s0;
	s0 =	simm.s32 @!p2 $0x0  }
0x16: {  	s3 =	sld [smem:$0x3FDB];
	s0 =	simm.s32 @p2 $0x1  }
0x17: {  	s4 =	simm.s32 $0x1BF5;
	[smem:$0x3FBB] =	sst s0  }
0x18: {  	s0 =	sld [smem:$0x3F9E];
	_ =	swait.ge [sflag:s4], $0x0  }
0x19: {  	s7 =	sld [smem:$0x3F9F]  }
0x1a: {  	s8 =	sadd.s32 $0xFFFFE003, lr  }
0x1b: {  	s9 =	sadd.s32 $0xFFFFFEF7, lr;
	s5 =	simm.s32 $0xFFFFFFFF;
	p2 =	slt.u32 s8, $0xFFFFF086  }
0x1c: {  	p1 =	slt.u32 s9, $0xF7A;
	s5 =	simm.s32 @!p2 $0x0  }
0x1d: {  	s5 =	simm.s32 @p1 $0x1;
	p0 =	seq.s32 s7, s2  }
0x1e: {  	s7 =	smul.u32 @!p0 $0xF7A, s2;
	p2 =	seq.s32 @!p0 s5, $0x0  }
0x1f: {  	s9 =	smul.u32 $0xF7A, s1;
	s8 =	simm.s32 @!p0 $0x1BF5;
	p2 =	por !p2, p0  }
0x20: {  	[sflag:s8] =	ssyncset.s32 @!p0 $0xFFFFF086;
	s6 =	sadd.s32 @!p0 s3, s7;
	s7 =	simm.s32 @!p0 $0x108  }
0x21: {  	s3 =	sadd.s32 s3, s9;
	s6 =	sadd.s32 @!p0 $0x88, s6;
	s7 =	simm.s32 @p2 $0x1082  }
0x22: {  	[simem:s7], [sflag:s8] =	dma.local @!p0 [hbm:s6], $0xF7A  }
0x23: {  	s9 =	sor.u32 $0xD0000000, s2;
	s6 =	simm.s32 $0x108;
	_ =	swait.ge @!p0 [sflag:s8], $0x0  }
0x24: {  	s3 =	sadd.s32 $0x88, s3;
	s6 =	simm.s32 @!p1 $0x1082;
	[sflag:s4] =	ssyncset.s32 $0xFFFFF086  }
0x25: {  	[simem:s6], [sflag:s4] =	dma.local [hbm:s3], $0xF7A  }
0x26: {  	[smem:$0x3F9F] =	sst s1;
	(tag) =	ssettag s2;
	_ =	strace s9  }
0x27: {  	s1 =	sld [smem:$0x3FAF]  }
0x28: {  	s2 =	sld [smem:$0x3FB0]  }
0x29: {  	s4 =	sld [smem:$0x3FB2]  }
0x2a: {  	p0 =	seq.s32 s5, $0x0;
	s5 =	sld [smem:$0x3FB3]  }
0x2b: {  	s6 =	sld [smem:$0x3FB4]  }
0x2c: {  	s7 =	sld [smem:$0x3FB5]  }
0x2d: {  	s3 =	simm.s32 $0x108;
	s8 =	sld [smem:$0x3FB6]  }
0x2e: {  	s3 =	simm.s32 @!p0 $0x1082;
	s9 =	sld [smem:$0x3FB7]  }
0x2f: {  	lr =	sadd.s32 s0, s3;
	s0 =	sld [smem:$0x3FAE]  }
0x30: {  	s3 =	sld [smem:$0x3FB1]  }
0x31: {  	[smem:$0x3FBA] =	sst s10  }
0x32: {  	s10 =	sld [smem:$0x3FB8];
	_ =	sdelay $0x3  }
0x33: {  	p0 =	seq.s32 s10, $0x1;
	s10 =	sld [smem:$0x3FBA];
	_ =	sdelay $0x3  }
0x34: {  	[smem:$0x3FBA] =	sst s10  }
0x35: {  	s10 =	sld [smem:$0x3FB9];
	_ =	sdelay $0x3  }
0x36: {  	p1 =	seq.s32 s10, $0x1;
	s10 =	sld [smem:$0x3FBA];
	_ =	sdelay $0x3  }
0x37: {  	[smem:$0x3FBA] =	sst s10  }
0x38: {  	s10 =	sld [smem:$0x3FBB]  }
0x39: {  	_ = 	snop;
	(pc) =	sbr.ind lr, $3  }
0x3a: {  	_ = 	snop  }
0x3b: {  	_ = 	snop  }
0x3c: {  	p2 =	seq.s32 s10, $0x1;
	s10 =	sld [smem:$0x3FBA]  }
0x3d: {  	_ =	shalt  }
0x3e: {  	_ =	shalt  }
0x3f: {  	_ =	shalt  }
0x40: {  	_ =	shalt  }
0x41: {  	_ =	shalt  }
0x42: {  	_ =	shalt  }
0x43: {  	_ =	shalt  }
0x44: {  	_ =	shalt  }
0x45: {  	_ =	shalt  }
0x46: {  	_ =	shalt  }
0x47: {  	_ =	shalt  }
0x48: {  	_ =	shalt  }
0x49: {  	_ =	shalt  }
0x4a: {  	_ =	shalt  }
0x4b: {  	_ =	shalt  }
0x4c: {  	_ =	shalt  }
0x4d: {  	_ =	shalt  }
0x4e: {  	_ =	shalt  }
0x4f: {  	_ =	shalt  }
0x50: {  	_ =	shalt  }
0x51: {  	_ =	shalt  }
0x52: {  	_ =	shalt  }
0x53: {  	_ =	shalt  }
0x54: {  	_ =	shalt  }
0x55: {  	_ =	shalt  }
0x56: {  	_ =	shalt  }
0x57: {  	_ =	shalt  }
0x58: {  	_ =	shalt  }
0x59: {  	_ =	shalt  }
0x5a: {  	_ =	shalt  }
0x5b: {  	_ =	shalt  }
0x5c: {  	_ =	shalt  }
0x5d: {  	_ =	shalt  }
0x5e: {  	_ =	shalt  }
0x5f: {  	_ =	shalt  }
0x60: {  	_ =	shalt  }
0x61: {  	_ =	shalt  }
0x62: {  	_ =	shalt  }
0x63: {  	_ =	shalt  }
0x64: {  	_ =	shalt  }
0x65: {  	_ =	shalt  }
0x66: {  	_ =	shalt  }
0x67: {  	_ =	shalt  }
0x68: {  	_ =	shalt  }
0x69: {  	_ =	shalt  }
0x6a: {  	_ =	shalt  }
0x6b: {  	_ =	shalt  }
0x6c: {  	_ =	shalt  }
0x6d: {  	_ =	shalt  }
0x6e: {  	_ =	shalt  }
0x6f: {  	_ =	shalt  }
0x70: {  	_ =	shalt  }
0x71: {  	_ =	shalt  }
0x72: {  	_ =	shalt  }
0x73: {  	_ =	shalt  }
0x74: {  	_ =	shalt  }
0x75: {  	_ =	shalt  }
0x76: {  	_ =	shalt  }
0x77: {  	_ =	shalt  }
0x78: {  	_ =	shalt  }
0x79: {  	_ =	shalt  }
0x7a: {  	_ =	shalt  }
0x7b: {  	_ =	shalt  }
0x7c: {  	_ =	shalt  }
0x7d: {  	_ =	shalt  }
0x7e: {  	_ =	shalt  }
0x7f: {  	_ =	shalt  }
0x80: {  	_ =	shalt  }
0x81: {  	_ =	shalt  }
0x82: {  	_ =	shalt  }
0x83: {  	_ =	shalt  }
0x84: {  	_ =	shalt  }
0x85: {  	_ =	shalt  }
0x86: {  	_ =	shalt  }
0x87: {  	_ =	shalt  }
.Lfunc_end0:
.L_simem_size_0:
called_computation_lowered:
.L_overlay_start_0:
0x88: {  	s2 =	sld [smem:$0x3FD9]  }
0x89: {  	s3 =	sld [smem:$0x3FFE];
	_ =	sdelay $0x1  }
0x8a: {  	s1 =	srdreg.scid  }
0x8b: {  	s0 =	sand.u32 $0x1, s1  }
0x8c: {  	s17 =	sshll.u32 s0, $0xA;
	s2 =	sadd.s32 s3, s2  }
0x8d: {  	s2 =	sadd.s32 s2, s17  }
0x8e: {  	[smem:$0x3FC6] =	sst s2  }
0x8f: {  	_ = 	snop  }
0x90: {  	s2 =	sld [smem:$0x3FC9]  }
0x91: {  	s18 =	sld [smem:$0x3FC8];
	(tm) =	ssettm $0x1  }
0x92: {  	s4 =	sld [smem:$0x3FFB];
	_ =	sdelay $0x3  }
0x93: {  	_ =	strace s4  }
0x94: {  	s4 =	sld [smem:$0x3FFC];
	_ =	sdelay $0x3  }
0x95: {  	_ =	strace s4  }
0x96: {  	s4 =	sld [smem:$0x3FFD];
	_ =	sdelay $0x3  }
0x97: {  	_ =	strace s4  }
0x98: {  	_ =	strace $0x8FFFFFFF  }
0x99: {  	s19 =	sld [smem:$0x3FDB];
	_ =	sdelay $0x1  }
0x9a: {  	s5 =	simm.s32 $_scs_section_size  }
0x9b: {  	s6 =	simm.s32 $_size__tile_overlayer_lowered;
	s7 =	simm.s32 $_tile_overlayer_lowered  }
0x9c: {  	s22 =	simm.s32 $0x1BFF;
	s21 =	sshll.u32 s7, $0x1;
	s4 =	sadd.s32 s5, s19  }
0x9d: {  	s8 =	simm.s32 $0x0;
	s20 =	sshll.u32 s6, $0x1;
	s6 =	sadd.s32 s21, s4  }
0x9e: {  	[timem:s8], [sflag:s22] =	dma.local [hbm:s6], s20  }
0x9f: {  	_ =	swait.ge [sflag:s22], s20  }
0xa0: {  	s5 =	ssub.s32 $0x0, s20;
	[sflag:s22] =	ssyncset.done $0x0  }
0xa1: {  	[sflag:s22] =	ssyncadd.s32 s5;
	_ =	sdelay $0x1  }
0xa2: {  	s23 =	simm.s32 $0x1B8B  }
0xa3: {  	_ =	swait.ge [sflag:s23], $0x1  }
0xa4: {  	[sflag:s23] =	ssyncset.done $0x0  }
0xa5: {  	s25 =	simm.s32 $0x1B8E;
	s24 =	sld [smem:$0x3FFE];
	[sflag:s23] =	ssyncadd.s32 $0xFFFFFFFF  }
0xa6: {  	s26 =	simm.s32 $execute0_lowered;
	[smem:$0x3FD2] =	sst s25  }
0xa7: {  	s6 =	sshll.u32 s26, $0x1;
	_ =	strace $0x80000046;
	[dreg:$0x1] =	wrdreg $0xFFFFFFFF  }
0xa8: {  	s28 =	simm.s32 $_size_execute0_lowered;
	s4 =	sadd.s32 s4, s6;
	[dreg:$0x0] =	wrdreg $0x0  }
0xa9: {  	s6 =	sshll.u32 s28, $0x1;
	[dreg:$0x2] =	wrdreg s4  }
0xaa: {  	[dreg:$0x3] =	wrdreg s6  }
0xab: {  	[dreg:$0x4] =	wrdreg $0xC0  }
0xac: {  	_ =	task [dreg:s8], $0x5FFFF  }
0xad: {  	[dreg:$0x1] =	wrdreg $0xFFFFFFFF  }
0xae: {  	[dreg:$0x0] =	wrdreg $0x60  }
0xaf: {  	[dreg:$0x2] =	wrdreg s2  }
0xb0: {  	[dreg:$0x3] =	wrdreg s18  }
0xb1: {  	[dreg:$0x4] =	wrdreg s24  }
0xb2: {  	[dreg:$0x5] =	wrdreg $0x9  }
0xb3: {  	_ =	task.clear_ibuf [dreg:s8], $0x6FFFF;
	_ =	strace $0x90000046  }
0xb4: {  	s29 =	simm.s32 $0x9;
	_ =	strace $0x80000048  }
0xb5: {  	_ =	swait.ge [sflag:s29], $0x1  }
0xb6: {  	[sflag:s29] =	ssyncadd.s32 $0xFFFFFFFF  }
0xb7: {  	_ =	strace $0x90000048  }
0xb8: {  	_ =	sfence  }
0xb9: {  	s30 =	sld [smem:$0x0];
	_ =	sdelay $0x2  }
0xba: {  	s31 =	sshll.u32 s1, $0xD;
	s1 =	sshrl.u32 s1, $0x2  }
0xbb: {  	s3 =	sand.u32 $0x4000, s31;
	s1 =	sadd.s32 s1, s30  }
0xbc: {  	s0 =	sor.u32 s3, s0;
	s1 =	sshll.u32 s1, $0x11  }
0xbd: {  	s0 =	sor.u32 s1, s0  }
0xbe: {  	s0 =	sadd.s32 $0x8F2B, s0  }
0xbf: {  	[sflag:s0] =	ssyncadd.remote.s32 $0x1  }
0xc0: {  	_ =	sfence.sel $0xFFFF  }
0xc1: {  	[dreg:$0x0] =	wrdreg $0xFFFFFFFF;
	(pc) =	sbr.abs _section_cstart, $3  }
0xc2: {  	[dreg:$0x1] =	wrdreg $0xFFFFFFFF  }
0xc3: {  	_ =	task.clear_ibuf [dreg:s8], $0x2FFFF;
	_ =	strace $0x9FFFFFFF  }
0xc4: {  	(tm) =	ssettm $0x7FFFFFFF  }
0xc5: {  	_ =	shalt  }
tec
execute0_lowered:
.L_overlay_start_1:
0x0: {  	(tag) =	ssettag $0x1  }
0x1: {  	s1 =	rddreg [dreg:$0x0]  }
0x2: {  	s0 =	rddreg [dreg:$0x2]  }
0x3: {  	s3 =	simm.s32 $0x0;
	s2 =	srdreg.scid;
	s5 =	stileid.u32  }
0x4: {  	s16 =	simm.s32 $0x1;
	s28 =	simm.s32 $0xD900;
	s31 =	simm.s32 $0x0  }
0x5: {  	[smem:$0x7FF] =	sst s3;
	s2 =	sand.u32 $0x1, s2;
	s4 =	sshll.u32 s5, $0x1  }
0x6: {  	s25 =	sshrl.u32 s5, $0x3;
	_ =	strace $0x80000047;
	s24 =	ssub.s32 $0x2, s2  }
0x7: {  	s2 =	sor.u32 s2, s4;
	s5 =	sshll.u32 s25, $0x9;
	s6 =	sshrl.u32 s24, $0x1  }
0x8: {  	s7 =	sand.u32 $0xF, s2;
	s9 =	smul.u32 $0x30, s2;
	s8 =	sor.u32 $0xC0, s5  }
0x9: {  	s2 =	smul.u32 $0x6, s2;
	s10 =	sor.u32 $0x1C0, s5;
	s3 =	ssub.s32 s24, s6  }
0xa: {  	s6 =	smul.u32 $0x6, s7;
	s7 =	sor.u32 $0x40, s5;
	s24 =	simm.s32 $0xC000  }
0xb: {  	s11 =	sshrl.u32 s9, $0x3;
	s9 =	sor.u32 $0x140, s5;
	s30 =	smax.u32 s3, $0x1  }
0xc: {  	s12 =	sadd.s32 s0, s11;
	s0 =	sadd.s32 s0, s2;
	[dreg:$0x7] =	wrdreg s30  }
0xd: {  	s11 =	sshll.u32 s25, $0x6;
	[dreg:$0x4] =	wrdreg s0;
	s26 =	sadd.s32 $0x2, s12  }
0xe: {  	s25 =	simm.s32 $0xD800;
	s29 =	sadd.s32 $0x4, s12;
	[dreg:$0x5] =	wrdreg s26  }
0xf: {  	v0 =	vimm.f32 $0.0e+00;
	v1 =	vimm.s32 $0x0;
	v2 =	vimm.f32 $1.000000000e+00;
	s2 =	simm.s32 $0x0;
	[dreg:$0x6] =	wrdreg s29;
	s26 =	simm.s32 $0xD880  }
.LBB2_1:
0x10: {  	[tilespmem:$0xD800] =	vst v0  }
0x11: {  	[tilespmem:$0xD880] =	vst v0  }
0x12: {  	[dreg:$0x8] =	wrdreg s2;
	[tilespmem:$0xD900] =	vst v0;
	s30 =	simm.s32 $0x0  }
.LBB2_2:
0x13: {  	s0 =	sadd.s32 s6, s30  }
0x14: {  	s2 =	sshrl.u32 s0, $0x3  }
0x15: {  	s0 =	sand.u32 $0x7, s0;
	s2 =	sadd.s32 $0x34, s2  }
0x16: {  	s0 =	smul.u32 $0x1800, s0;
	s3 =	sor.u32 s5, s2  }
0x17: {  	s3 =	smul.u32 $0xC000, s3;
	_ =	sdelay $0x1  }
0x18: {  	s3 =	sadd.s32 s0, s3  }
0x19: {  	s4 =	sadd.s32 s2, s7;
	s3 =	sshrl.u32 s3, $0x3  }
0x1a: {  	s4 =	smul.u32 $0xC000, s4;
	s3 =	sadd.s32 s1, s3  }
0x1b: {  	[tilespmem:s31], [sflag:$0x1] =	stream.linear.gather [hbm4b:s3+s31], $0x1800, $0x38;
	[tilespmem:$0xD980] =	vst v63  }
0x1c: {  	s4 =	sadd.s32 s0, s4;
	_ =	swait.ge [sflag:s16], $0x1800  }
0x1d: {  	s4 =	sshrl.u32 s4, $0x3;
	[sflag:s16] =	ssyncset.done $0x0  }
0x1e: {  	s12 =	simm.s32 $0x1800;
	s4 =	sadd.s32 s1, s4;
	[sflag:s16] =	ssyncadd.s32 $0xFFFFE800  }
0x1f: {  	[tilespmem:s12], [sflag:$0x1] =	stream.linear.gather [hbm4b:s4+s31], $0x1800, $0x38;
	[tilespmem:$0xD980] =	vst v63  }
0x20: {  	_ =	swait.ge [sflag:s16], $0x1800  }
0x21: {  	s13 =	simm.s32 $0x3000;
	s23 =	sadd.s32 s2, s8;
	[sflag:s16] =	ssyncset.done $0x0  }
0x22: {  	s29 =	sadd.s32 $0xC0000, s3;
	s4 =	smul.u32 $0xC000, s23;
	[sflag:s16] =	ssyncadd.s32 $0xFFFFE800  }
0x23: {  	[tilespmem:s13], [sflag:$0x1] =	stream.linear.gather [hbm4b:s29+s31], $0x1800, $0x38;
	[tilespmem:$0xD980] =	vst v63  }
0x24: {  	s4 =	sadd.s32 s0, s4;
	_ =	swait.ge [sflag:s16], $0x1800  }
0x25: {  	s4 =	sshrl.u32 s4, $0x3;
	[sflag:s16] =	ssyncset.done $0x0  }
0x26: {  	s14 =	simm.s32 $0x4800;
	s4 =	sadd.s32 s1, s4;
	[sflag:s16] =	ssyncadd.s32 $0xFFFFE800  }
0x27: {  	[tilespmem:s14], [sflag:$0x1] =	stream.linear.gather [hbm4b:s4+s31], $0x1800, $0x38;
	[tilespmem:$0xD980] =	vst v63  }
0x28: {  	_ =	swait.ge [sflag:s16], $0x1800  }
0x29: {  	s18 =	simm.s32 $0x6000;
	s15 =	sadd.s32 s2, s9;
	[sflag:s16] =	ssyncset.done $0x0  }
0x2a: {  	s17 =	sadd.s32 $0x180000, s3;
	s4 =	smul.u32 $0xC000, s15;
	[sflag:s16] =	ssyncadd.s32 $0xFFFFE800  }
0x2b: {  	[tilespmem:s18], [sflag:$0x1] =	stream.linear.gather [hbm4b:s17+s31], $0x1800, $0x38;
	[tilespmem:$0xD980] =	vst v63  }
0x2c: {  	s4 =	sadd.s32 s0, s4;
	_ =	swait.ge [sflag:s16], $0x1800  }
0x2d: {  	s4 =	sshrl.u32 s4, $0x3;
	[sflag:s16] =	ssyncset.done $0x0  }
0x2e: {  	s19 =	simm.s32 $0x7800;
	s4 =	sadd.s32 s1, s4;
	[sflag:s16] =	ssyncadd.s32 $0xFFFFE800  }
0x2f: {  	[tilespmem:s19], [sflag:$0x1] =	stream.linear.gather [hbm4b:s4+s31], $0x1800, $0x38;
	[tilespmem:$0xD980] =	vst v63  }
0x30: {  	_ =	swait.ge [sflag:s16], $0x1800  }
0x31: {  	s21 =	simm.s32 $0x9000;
	s20 =	sadd.s32 s2, s10;
	[sflag:s16] =	ssyncset.done $0x0  }
0x32: {  	s3 =	sadd.s32 $0x240000, s3;
	s4 =	smul.u32 $0xC000, s20;
	[sflag:s16] =	ssyncadd.s32 $0xFFFFE800  }
0x33: {  	[tilespmem:s21], [sflag:$0x1] =	stream.linear.gather [hbm4b:s3+s31], $0x1800, $0x38;
	[tilespmem:$0xD980] =	vst v63  }
0x34: {  	s22 =	sadd.s32 s0, s4;
	_ =	swait.ge [sflag:s16], $0x1800  }
0x35: {  	s2 =	sadd.s32 s11, s2;
	s3 =	sshrl.u32 s22, $0x3;
	[sflag:s16] =	ssyncset.done $0x0  }
0x36: {  	s23 =	simm.s32 $0xA800;
	s3 =	sadd.s32 s1, s3;
	[sflag:s16] =	ssyncadd.s32 $0xFFFFE800  }
0x37: {  	[tilespmem:s23], [sflag:$0x1] =	stream.linear.gather [hbm4b:s3+s31], $0x1800, $0x38;
	[tilespmem:$0xD980] =	vst v63  }
0x38: {  	s2 =	smul.u32 $0xC000, s2;
	_ =	swait.ge [sflag:s16], $0x1800  }
0x39: {  	[sflag:s16] =	ssyncset.done $0x0  }
0x3a: {  	s0 =	sadd.s32 s0, s2;
	[sflag:s16] =	ssyncadd.s32 $0xFFFFE800  }
0x3b: {  	s0 =	sshrl.u32 s0, $0x3;
	s29 =	rddreg [dreg:$0x1]  }
0x3c: {  	s0 =	sadd.s32 s29, s0  }
0x3d: {  	[tilespmem:s24], [sflag:$0x1] =	stream.linear.gather [hbm4b:s0+s31], $0x1800, $0x38;
	[tilespmem:$0xD980] =	vst v63  }
0x3e: {  	_ =	swait.ge [sflag:s16], $0x1800  }
0x3f: {  	[sflag:s16] =	ssyncset.done $0x0  }
0x40: {  	s0 =	simm.s32 $0x0;
	[sflag:s16] =	ssyncadd.s32 $0xFFFFE800  }
.LBB2_3:
0x41: {  	s2 =	sshll.u32 s0, $0x8;
	s3 =	sshll.u32 s0, $0x7  }
0x42: {  	s2 =	sand.u32 $0x1800, s2;
	s3 =	sand.u32 $0x380, s3  }
0x43: {  	s21 =	sand.u32 $0x400, s31;
	s4 =	sor.u32 s2, s3  }
0x44: {  	s20 =	sand.u32 $0x70, s31;
	s29 =	sadd.s32 $0x1800, s4;
	s2 =	sadd.s32 $0x3000, s4  }
0x45: {  	s15 =	sadd.s32 $0x4800, s4;
	s14 =	sor.u32 $0x6000, s4;
	s13 =	sadd.s32 $0x7800, s4  }
0x46: {  	s3 =	sadd.s32 $0x9000, s4;
	s17 =	sor.u32 s21, s4;
	s12 =	sadd.s32 $0xA800, s4  }
0x47: {  	s18 =	sadd.s32 s21, s29;
	s19 =	sor.u32 s20, s17;
	s23 =	sadd.s32 s21, s2  }
0x48: {  	s17 =	simm.s32 $0x10;
	s22 =	sadd.s32 s20, s18;
	v3 =	vld [tilespmem:s19+$0x0];
	s18 =	simm.s32 $0x0  }
.LBB2_4:
0x49: {  	p0 =	sne.s32 s17, $0xB0;
	v4 =	vld [tilespmem:s22+$0x0];
	s22 =	sadd.s32 s20, s23;
	s23 =	sadd.s32 s21, s15  }
0x4a: {  	v5 =	vld [tilespmem:s22+$0x0];
	s22 =	sadd.s32 s20, s23;
	s23 =	sadd.s32 s21, s14  }
0x4b: {  	v6 =	vld [tilespmem:s22+$0x0];
	s22 =	sadd.s32 s20, s23;
	s23 =	sadd.s32 s21, s13  }
0x4c: {  	v7 =	vld [tilespmem:s22+$0x0];
	s22 =	sadd.s32 s20, s23;
	s23 =	sadd.s32 s21, s3  }
0x4d: {  	s21 =	sadd.s32 s21, s12;
	v8 =	vld [tilespmem:s22+$0x0];
	s22 =	sadd.s32 s20, s23  }
0x4e: {  	s20 =	sadd.s32 s20, s21;
	vm0 =	vgt.f32 v4, v3;
	v9 =	vld [tilespmem:s22+$0x0]  }
0x4f: {  	v3 =	vsel vm0, v4, v3;
	v4 =	vld [tilespmem:s20+$0x0]  }
0x50: {  	vm1 =	vgt.f32 v5, v3;
	v10 =	vld [tilespmem:s19+$0xC000]  }
0x51: {  	v3 =	vsel vm1, v5, v3  }
0x52: {  	vm2 =	vgt.f32 v6, v3  }
0x53: {  	v3 =	vsel vm2, v6, v3  }
0x54: {  	vm3 =	vgt.f32 v7, v3  }
0x55: {  	v5 =	vsel vm0, $0x1, v1;
	v3 =	vsel vm3, v7, v3  }
0x56: {  	v5 =	vsel vm1, $0x2, v5;
	vm0 =	vgt.f32 v8, v3  }
0x57: {  	v5 =	vsel vm2, $0x3, v5;
	v3 =	vsel vm0, v8, v3  }
0x58: {  	v5 =	vsel vm3, $0x4, v5;
	vm1 =	vgt.f32 v9, v3  }
0x59: {  	v5 =	vsel vm0, $0x5, v5;
	v3 =	vsel vm1, v9, v3  }
0x5a: {  	v5 =	vsel vm1, $0x6, v5;
	vm0 =	vgt.f32 v4, v3  }
0x5b: {  	v3 =	vsel vm0, $0x7, v5  }
0x5c: {  	vm0 =	veq.s32 v3, v10;
	_ =	sdelay $0x4  }
.Ltmp0:
0x5d: {  	s18 =	sadd.s32 $0x80, s18;
	(pc) =	sbr.rel @p0 .LBB2_4-.Ltmp0, $4  }
0x5e: {  	s21 =	sand.u32 $0x400, s18;
	[tilespmem:v10+s25+$0x0] =	vst.idx.add.f32.msk vm0, v2  }
0x5f: {  	s20 =	sand.u32 $0x70, s17;
	s19 =	sor.u32 s21, s4;
	[tilespmem:v3+s26+$0x0] =	vst.idx.add.f32.msk $0xffff, v2  }
0x60: {  	s22 =	sadd.s32 s21, s29;
	s19 =	sor.u32 s20, s19;
	[tilespmem:v10+s28+$0x0] =	vst.idx.add.f32.msk $0xffff, v2  }
0x61: {  	s23 =	sadd.s32 s21, s2;
	s17 =	sadd.s32 $0x10, s17;
	s22 =	sadd.s32 s20, s22;
	v3 =	vld [tilespmem:s19+$0x0]  }
0x62: {  	v4 =	vld [tilespmem:s22+$0x0]  }
0x63: {  	s2 =	sadd.s32 s20, s23  }
0x64: {  	s4 =	sadd.s32 s21, s15;
	v5 =	vld [tilespmem:s2+$0x0]  }
0x65: {  	s4 =	sadd.s32 s20, s4  }
0x66: {  	s14 =	sadd.s32 s21, s14;
	v6 =	vld [tilespmem:s4+$0x0]  }
0x67: {  	s15 =	sadd.s32 s20, s14;
	vm0 =	vgt.f32 v4, v3  }
0x68: {  	s17 =	sadd.s32 s21, s13;
	v7 =	vld [tilespmem:s15+$0x0];
	v3 =	vsel vm0, v4, v3  }
0x69: {  	s18 =	sadd.s32 s20, s17;
	vm1 =	vgt.f32 v5, v3  }
0x6a: {  	s3 =	sadd.s32 s21, s3;
	v58 =	vld [tilespmem:s18+$0x0];
	v3 =	vsel vm1, v5, v3  }
0x6b: {  	s22 =	sadd.s32 s20, s3;
	vm2 =	vgt.f32 v6, v3  }
0x6c: {  	s23 =	sadd.s32 s21, s12;
	v59 =	vld [tilespmem:s22+$0x0];
	v3 =	vsel vm2, v6, v3  }
0x6d: {  	s29 =	sadd.s32 s20, s23;
	vm3 =	vgt.f32 v7, v3  }
0x6e: {  	v60 =	vld [tilespmem:s29+$0x0];
	v8 =	vsel vm0, $0x1, v1;
	v3 =	vsel vm3, v7, v3  }
0x6f: {  	v61 =	vsel vm1, $0x2, v8;
	vm13 =	vgt.f32 v58, v3  }
0x70: {  	v62 =	vld [tilespmem:s19+$0xC000];
	v7 =	vsel vm2, $0x3, v61;
	v3 =	vsel vm13, v58, v3  }
0x71: {  	v63 =	vsel vm3, $0x4, v7;
	vm14 =	vgt.f32 v59, v3  }
0x72: {  	v4 =	vsel vm13, $0x5, v63;
	v3 =	vsel vm14, v59, v3  }
0x73: {  	v4 =	vsel vm14, $0x6, v4;
	vm15 =	vgt.f32 v60, v3  }
0x74: {  	v3 =	vsel vm15, $0x7, v4  }
0x75: {  	vm0 =	veq.s32 v3, v62;
	_ =	sdelay $0x1  }
0x76: {  	s0 =	sadd.s32 $0x1, s0  }
0x77: {  	p0 =	sne.s32 s0, $0x18  }
.Ltmp1:
0x78: {  	_ = 	snop;
	(pc) =	sbr.rel @p0 .LBB2_3-.Ltmp1, $4  }
0x79: {  	_ = 	snop  }
0x7a: {  	[tilespmem:v62+s25+$0x0] =	vst.idx.add.f32.msk vm0, v2  }
0x7b: {  	[tilespmem:v3+s26+$0x0] =	vst.idx.add.f32.msk $0xffff, v2  }
0x7c: {  	[tilespmem:v62+s28+$0x0] =	vst.idx.add.f32.msk $0xffff, v2  }
0x7d: {  	s30 =	sadd.s32 $0x1, s30  }
0x7e: {  	p0 =	sne.s32 s30, $0x6  }
.Ltmp2:
0x7f: {  	_ = 	snop;
	(pc) =	sbr.rel @p0 .LBB2_2-.Ltmp2, $1  }
0x80: {  	_ =	sdelay $0x3  }
0x81: {  	s0 =	simm.s32 $0x0;
	s2 =	rddreg [dreg:$0x4]  }
0x82: {  	[hbm4b:s2+s0] =	stream.linear.scatter [tilespmem:s25], [sflag:$0x1], $0x10, $0x38;
	[tilespmem:$0xD980] =	vst v63  }
0x83: {  	_ =	swait.ge [sflag:s16], $0x10  }
0x84: {  	[sflag:s16] =	ssyncset.done $0x0  }
0x85: {  	s22 =	rddreg [dreg:$0x5];
	[sflag:s16] =	ssyncadd.s32 $0xFFFFFFF0  }
0x86: {  	[hbm4b:s22+s0] =	stream.linear.scatter [tilespmem:s26], [sflag:$0x1], $0x10, $0x38;
	[tilespmem:$0xD980] =	vst v63  }
0x87: {  	_ =	swait.ge [sflag:s16], $0x10  }
0x88: {  	[sflag:s16] =	ssyncset.done $0x0  }
0x89: {  	s23 =	rddreg [dreg:$0x6];
	[sflag:s16] =	ssyncadd.s32 $0xFFFFFFF0  }
0x8a: {  	[hbm4b:s23+s0] =	stream.linear.scatter [tilespmem:s28], [sflag:$0x1], $0x10, $0x38;
	[tilespmem:$0xD980] =	vst v63  }
0x8b: {  	_ =	swait.ge [sflag:s16], $0x10  }
0x8c: {  	s29 =	rddreg [dreg:$0x8]  }
0x8d: {  	s30 =	rddreg [dreg:$0x7];
	s2 =	sadd.s32 $0x1, s29  }
0x8e: {  	p0 =	sne.s32 s2, s30  }
.Ltmp3:
0x8f: {  	_ = 	snop;
	(pc) =	sbr.rel @p0 .LBB2_1-.Ltmp3, $3  }
0x90: {  	_ =	sdelay $0x1  }
0x91: {  	[sflag:s16] =	ssyncset.done $0x0  }
0x92: {  	[sflag:s16] =	ssyncadd.s32 $0xFFFFFFF0  }
0x93: {  	_ =	sfence.sel $0x180000  }
0x94: {  	[bflag:$0x0] =	sbarrier.arrive $0xFFFF  }
0x95: {  	_ =	strace $0x90000047  }
0x96: {  	s0 =	stileid.u32;
	[bflag:$0x2] =	sbarrier.arrive $0xFFFF  }
0x97: {  	p0 =	sne.s32 s0, $0x0;
	s0 =	rddreg [dreg:$0x3]  }
0x98: {  	s0 =	sadd.s32 @!p0 $0x100000, s0  }
0x99: {  	[sflag:s0] =	ssyncadd.tile.s32 @!p0 $0x1;
	_ =	shalt  }
.Lfunc_end2:
_tile_overlayer_lowered:
.L_overlay_start_2:
0x9a: {  	(tag) =	ssettag $0x2  }
0x9b: {  	s0 =	rddreg [dreg:$0x0];
	s2 =	stileid.u32  }
0x9c: {  	s1 =	rddreg [dreg:$0x1];
	p0 =	sne.s32 s2, $0x0  }
0x9d: {  	s3 =	rddreg [dreg:$0x2];
	[bflag:$0x3] =	sbarrier.arrive $0xFFFF;
	s2 =	simm.s32 @!p0 $0x1C01  }
0x9e: {  	[timem:s3], [sflag:s2] =	dma.local @!p0 [hbm:s0], s1  }
0x9f: {  	s0 =	simm.s32 @!p0 $0x1  }
0xa0: {  	_ =	swait.ge @!p0 [sflag:s0], s1  }
0xa1: {  	s1 =	ssub.s32 @!p0 $0x0, s1;
	[sflag:s0] =	ssyncset.done @!p0 $0x0  }
0xa2: {  	[sflag:s0] =	ssyncadd.s32 @!p0 s1  }
0xa3: {  	[bflag:$0x3] =	sbarrier.arrive $0xFFFF  }
0xa4: {  	_ =	shalt  }

</sc_bundles>
